<compile_context>
chip_gen: v7x
topology: tpu7x:2x2x1
jax: 0.10.2.dev20260603
libtpu: 0.0.44.dev20260713+nightly
codegen_flags: <defaults>
</compile_context>

<pallas_src>
import functools

import jax
import jax.numpy as jnp
from jax import lax
from jax.experimental import pallas as pl
from jax.experimental.pallas import tpu as pltpu
from jax.experimental.pallas import tpu_sc as plsc

_NC = 2
_NS = 16
_L = 16
_R = 49920
_DH = 4
_U = 4


def kernel(text_indices, context_indices, w_in, w_out):
    B = text_indices.shape[0]
    N, E = w_in.shape
    assert E == _NC * _NS and B % (_NS * _L * _U) == 0
    tail = N - 2 * _R
    assert 0 < tail <= 256
    half = B // 2
    b_per_t = B // _NS
    mesh = plsc.VectorSubcoreMesh(core_axis_name="c", subcore_axis_name="s")

    @functools.partial(
        pl.kernel,
        mesh=mesh,
        out_type=jax.ShapeDtypeStruct((_NC, B), jnp.float32),
        compiler_params=pltpu.CompilerParams(needs_layout_passes=False),
        scratch_types=[
            pltpu.VMEM((_R + tail,), jnp.float32),
            pltpu.VMEM((tail,), jnp.float32),
            pltpu.VMEM((B,), jnp.int32),
            pltpu.VMEM((half,), jnp.int32),
            pltpu.VMEM((B,), jnp.float32),
            pltpu.VMEM((B,), jnp.float32),
            pltpu.VMEM((_DH, B // _NS), jnp.float32),
            pltpu.VMEM_SHARED((_NS, B), jnp.float32),
        ],
    )
    def sc_kernel(ti_hbm, ci_hbm, wt_in_hbm, wt_out_hbm, out_hbm,
                  row_v, tail_v, ti_v, cic_v, xfull, pc_v, pbuf, p_sp):
        c = lax.axis_index("c")
        t = lax.axis_index("s")
        d = c * _NS + t

        pltpu.sync_copy(ti_hbm, ti_v)

        def stage_row(tbl_hbm, r):
            if r == 0:
                pltpu.sync_copy(tbl_hbm.at[d, pl.ds(0, _R)],
                                row_v.at[pl.ds(0, _R)])
            else:
                pltpu.sync_copy(tbl_hbm.at[d, pl.ds(_R, _R)],
                                row_v.at[pl.ds(0, _R)])
                pltpu.sync_copy(tbl_hbm.at[d, pl.ds(2 * _R, tail)], tail_v)
                for k in range(tail // _L):
                    row_v[pl.ds(_R + k * _L, _L)] = tail_v[pl.ds(k * _L, _L)]

        for r in range(2):
            stage_row(wt_in_hbm, r)

            @plsc.parallel_loop(0, B, step=_L, unroll=_U)
            def xbody(i):
                sl = pl.ds(i, _L)
                iv = ti_v[sl]
                if r == 0:
                    m = iv < _R
                    gv = plsc.load_gather(row_v, [iv], mask=m)
                    xfull[sl] = jnp.where(m, gv, 0.0)
                else:
                    m = iv >= _R
                    gv = plsc.load_gather(row_v, [iv - _R], mask=m)
                    xfull[sl] = xfull[sl] + jnp.where(m, gv, 0.0)

        for r in range(2):
            stage_row(wt_out_hbm, r)
            for ih in range(2):
                hbase = ih * half
                pltpu.sync_copy(ci_hbm.at[pl.ds(hbase, half)], cic_v)

                @plsc.parallel_loop(0, half, step=_L, unroll=_U)
                def cbody(o):
                    sl = pl.ds(hbase + o, _L)
                    iv = cic_v[pl.ds(o, _L)]
                    if r == 0:
                        m = iv < _R
                        gv = plsc.load_gather(row_v, [iv], mask=m)
                        pc_v[sl] = jnp.where(m, gv, 0.0) * xfull[sl]
                    else:
                        m = iv >= _R
                        gv = plsc.load_gather(row_v, [iv - _R], mask=m)
                        pc_v[sl] = (pc_v[sl]
                                    + jnp.where(m, gv, 0.0) * xfull[sl])

        pltpu.sync_copy(pc_v, p_sp.at[t])
        plsc.subcore_barrier()

        bbase = t * b_per_t
        for dchunk in range(_NS // _DH):
            dbase = dchunk * _DH
            pltpu.sync_copy(p_sp.at[pl.ds(dbase, _DH), pl.ds(bbase, b_per_t)],
                            pbuf)

            @plsc.parallel_loop(0, b_per_t, step=_L, unroll=_U)
            def rbody(v):
                sl = pl.ds(v, _L)
                acc = pbuf[0, sl]
                for dd in range(1, _DH):
                    acc = acc + pbuf[dd, sl]
                if dchunk:
                    acc = acc + pc_v[sl]
                pc_v[sl] = acc

        pltpu.sync_copy(pc_v.at[pl.ds(0, b_per_t)],
                        out_hbm.at[c, pl.ds(bbase, b_per_t)])

    partials = sc_kernel(text_indices, context_indices, w_in.T, w_out.T)
    return partials[0] + partials[1]

# --- scband reference (transcript-rebuilt; emitter-appended) ---
"""Pipeline reference for scband-char2-vec-89369679495516 (READ-ONLY COPY).

The authoritative reference and input builder live on the scoring server;
editing this copy changes nothing except your own understanding.
"""

import jax, jax.numpy as jnp
import numpy as np

N_EMBEDDINGS = 100000
ENCODING_SIZE = 32
BATCH = 16384

def setup_inputs(seed: int = 0) -> dict:
    key = jax.random.key(seed)
    k1, k2, k3, k4 = jax.random.split(key, 4)
    text_indices = jax.random.randint(k1, (BATCH,), 0, N_EMBEDDINGS)
    context_indices = jax.random.randint(k2, (BATCH,), 0, N_EMBEDDINGS)
    # kaiming_uniform_ with a=sqrt(5) on a (N, E) matrix -> bound = sqrt(6 / ((1 + 5) * E)) = 1/sqrt(E)
    bound = 1.0 / np.sqrt(ENCODING_SIZE)
    w_in = jax.random.uniform(k3, (N_EMBEDDINGS, ENCODING_SIZE), dtype=jnp.float32, minval=-bound, maxval=bound)
    w_out = jax.random.uniform(k4, (N_EMBEDDINGS, ENCODING_SIZE), dtype=jnp.float32, minval=-bound, maxval=bound)
    return {"text_indices": text_indices, "context_indices": context_indices, "w_in": w_in, "w_out": w_out}

def reference(text_indices, context_indices, w_in, w_out):
    x = jnp.take(w_in, text_indices, axis=0)
    c = jnp.take(w_out, context_indices, axis=0)
    return (x * c).sum(axis=1)

if __name__ == "__main__":
    import jax
    _d = setup_inputs()
    print(jax.jit(kernel)(*tuple(_d.values())))

</pallas_src>

<mosaic_0001>
#map = affine_map<(d0, d1) -> (0)>
#map1 = affine_map<(d0, d1) -> (0, 0)>
module attributes {stable_mosaic.version = 14 : i64} {
  func.func @sc_kernel(%arg0: i32, %arg1: i32, %arg2: memref<16384xi32, #tpu.memory_space<hbm>>, %arg3: memref<16384xi32, #tpu.memory_space<hbm>>, %arg4: memref<32x100000xf32, #tpu.memory_space<hbm>>, %arg5: memref<32x100000xf32, #tpu.memory_space<hbm>>, %arg6: memref<2x16384xf32, #tpu.memory_space<hbm>>, %arg7: memref<50080xf32, #tpu.memory_space<vmem>>, %arg8: memref<160xf32, #tpu.memory_space<vmem>>, %arg9: memref<16384xi32, #tpu.memory_space<vmem>>, %arg10: memref<8192xi32, #tpu.memory_space<vmem>>, %arg11: memref<16384xf32, #tpu.memory_space<vmem>>, %arg12: memref<16384xf32, #tpu.memory_space<vmem>>, %arg13: memref<4x1024xf32, #tpu.memory_space<vmem>>, %arg14: memref<16x16384xf32, #tpu.memory_space<vmem_shared>>) attributes {dimension_semantics = [#tpu.dimension_semantics<core_parallel>, #tpu.dimension_semantics<subcore_parallel>], iteration_bounds = array<i64: 2, 16>, scalar_prefetch = 0 : i64, scratch_operands = 8 : i64, tpu.core_type = #tpu.core_type<sc_vector_subcore>, window_params = [{transform_indices = #map}, {transform_indices = #map}, {transform_indices = #map1}, {transform_indices = #map1}, {transform_indices = #map1}]} {
    %mul3A = arith.constant 16 : i32
    %mul3A_0 = arith.muli %arg0, %mul3A : i32
    %add3A = arith.addi %mul3A_0, %arg1 : i32
    "tpu.region"() ({
      %run_scoped3A = tpu.sem_alloc : memref<!tpu.dma_semaphore, #tpu.memory_space<semaphore_mem>>
      tpu.enqueue_dma source(%arg2 : memref<16384xi32, #tpu.memory_space<hbm>>) target(%arg9 : memref<16384xi32, #tpu.memory_space<vmem>>) target_semaphore(%run_scoped3A : memref<!tpu.dma_semaphore, #tpu.memory_space<semaphore_mem>>)
      tpu.wait_dma2 semaphore(%run_scoped3A : memref<!tpu.dma_semaphore, #tpu.memory_space<semaphore_mem>>) src(%arg2 : memref<16384xi32, #tpu.memory_space<hbm>>) dst(%arg9 : memref<16384xi32, #tpu.memory_space<vmem>>)
      tpu.yield
    }) : () -> ()
    "tpu.region"() ({
      %run_scoped3A = tpu.sem_alloc : memref<!tpu.dma_semaphore, #tpu.memory_space<semaphore_mem>>
      %dma_start3A = arith.constant 0 : i32
      %dma_start3A_110 = tpu.memref_slice %arg7[%dma_start3A] : memref<50080xf32, #tpu.memory_space<vmem>> -> memref<49920xf32, #tpu.memory_space<vmem>>
      %dma_start3A_111 = arith.constant 0 : i32
      %dma_start3A_112 = tpu.memref_slice %arg4[%add3A, %dma_start3A_111] : memref<32x100000xf32, #tpu.memory_space<hbm>> -> memref<1x49920xf32, #tpu.memory_space<hbm>>
      %dma_start3A_113 = tpu.memref_squeeze %dma_start3A_112 : memref<1x49920xf32, #tpu.memory_space<hbm>> -> memref<49920xf32, #tpu.memory_space<hbm>>
      %dma_start3A_114 = arith.constant 0 : i32
      %dma_start3A_115 = tpu.memref_slice %arg7[%dma_start3A_114] : memref<50080xf32, #tpu.memory_space<vmem>> -> memref<49920xf32, #tpu.memory_space<vmem>>
      %dma_start3A_116 = arith.constant 0 : i32
      %dma_start3A_117 = tpu.memref_slice %arg4[%add3A, %dma_start3A_116] : memref<32x100000xf32, #tpu.memory_space<hbm>> -> memref<1x49920xf32, #tpu.memory_space<hbm>>
      %dma_start3A_118 = tpu.memref_squeeze %dma_start3A_117 : memref<1x49920xf32, #tpu.memory_space<hbm>> -> memref<49920xf32, #tpu.memory_space<hbm>>
      tpu.enqueue_dma source(%dma_start3A_118 : memref<49920xf32, #tpu.memory_space<hbm>>) target(%dma_start3A_115 : memref<49920xf32, #tpu.memory_space<vmem>>) target_semaphore(%run_scoped3A : memref<!tpu.dma_semaphore, #tpu.memory_space<semaphore_mem>>)
      %dma_wait3A = arith.constant 0 : i32
      %dma_wait3A_119 = tpu.memref_slice %arg7[%dma_wait3A] : memref<50080xf32, #tpu.memory_space<vmem>> -> memref<49920xf32, #tpu.memory_space<vmem>>
      %dma_wait3A_120 = arith.constant 0 : i32
      %dma_wait3A_121 = tpu.memref_slice %arg4[%add3A, %dma_wait3A_120] : memref<32x100000xf32, #tpu.memory_space<hbm>> -> memref<1x49920xf32, #tpu.memory_space<hbm>>
      %dma_wait3A_122 = tpu.memref_squeeze %dma_wait3A_121 : memref<1x49920xf32, #tpu.memory_space<hbm>> -> memref<49920xf32, #tpu.memory_space<hbm>>
      %dma_wait3A_123 = arith.constant 0 : i32
      %dma_wait3A_124 = tpu.memref_slice %arg7[%dma_wait3A_123] : memref<50080xf32, #tpu.memory_space<vmem>> -> memref<49920xf32, #tpu.memory_space<vmem>>
      %dma_wait3A_125 = arith.constant 0 : i32
      %dma_wait3A_126 = tpu.memref_slice %arg4[%add3A, %dma_wait3A_125] : memref<32x100000xf32, #tpu.memory_space<hbm>> -> memref<1x49920xf32, #tpu.memory_space<hbm>>
      %dma_wait3A_127 = tpu.memref_squeeze %dma_wait3A_126 : memref<1x49920xf32, #tpu.memory_space<hbm>> -> memref<49920xf32, #tpu.memory_space<hbm>>
      tpu.wait_dma2 semaphore(%run_scoped3A : memref<!tpu.dma_semaphore, #tpu.memory_space<semaphore_mem>>) src(%dma_wait3A_127 : memref<49920xf32, #tpu.memory_space<hbm>>) dst(%dma_wait3A_124 : memref<49920xf32, #tpu.memory_space<vmem>>)
      tpu.yield
    }) : () -> ()
    %parallel_loop3A = arith.constant 0 : i32
    %parallel_loop3A_1 = arith.constant 16384 : i32
    %parallel_loop3A_2 = arith.constant 16 : i32
    scf.for %parallel_loop3A_110 = %parallel_loop3A to %parallel_loop3A_1 step %parallel_loop3A_2  : i32 {
      %parallel_loop3A_111 = arith.index_cast %parallel_loop3A_110 : i32 to index
      %parallel_loop3A_112 = tpu.vector_load %arg9[%parallel_loop3A_111] {strides = array<i32>} : memref<16384xi32, #tpu.memory_space<vmem>>, vector<16xi32>,
      %parallel_loop3A_113 = arith.constant 49920 : i32
      %parallel_loop3A_114 = vector.broadcast %parallel_loop3A_113 : i32 to vector<16xi32>
      %parallel_loop3A_115 = arith.cmpi slt, %parallel_loop3A_112, %parallel_loop3A_114 : vector<16xi32>
      %parallel_loop3A_116 = tpu.vector_load_idx %arg7[%parallel_loop3A_112] masked %parallel_loop3A_115 : memref<50080xf32, #tpu.memory_space<vmem>>[vector<16xi32>], vector<16xf32>, vector<16xi1>
      %parallel_loop3A_117 = arith.constant 0.000000e+00 : f32
      %parallel_loop3A_118 = vector.broadcast %parallel_loop3A_117 : f32 to vector<16xf32>
      %parallel_loop3A_119 = arith.select %parallel_loop3A_115, %parallel_loop3A_116, %parallel_loop3A_118 : vector<16xi1>, vector<16xf32>
      %parallel_loop3A_120 = arith.index_cast %parallel_loop3A_110 : i32 to index
      %parallel_loop3A_121 = tpu.vector_load %arg11[%parallel_loop3A_120] {strides = array<i32>} : memref<16384xf32, #tpu.memory_space<vmem>>, vector<16xf32>,
      tpu.vector_store %arg11[%parallel_loop3A_120], %parallel_loop3A_119 {strides = array<i32>} : memref<16384xf32, #tpu.memory_space<vmem>>, vector<16xf32>,
    } {sc.loop_unroll_factor = 4 : i64, sc.parallel_access}
    "tpu.region"() ({
      %run_scoped3A = tpu.sem_alloc : memref<!tpu.dma_semaphore, #tpu.memory_space<semaphore_mem>>
      %dma_start3A = arith.constant 0 : i32
      %dma_start3A_110 = tpu.memref_slice %arg7[%dma_start3A] : memref<50080xf32, #tpu.memory_space<vmem>> -> memref<49920xf32, #tpu.memory_space<vmem>>
      %dma_start3A_111 = arith.constant 49920 : i32
      %dma_start3A_112 = tpu.memref_slice %arg4[%add3A, %dma_start3A_111] : memref<32x100000xf32, #tpu.memory_space<hbm>> -> memref<1x49920xf32, #tpu.memory_space<hbm>>
      %dma_start3A_113 = tpu.memref_squeeze %dma_start3A_112 : memref<1x49920xf32, #tpu.memory_space<hbm>> -> memref<49920xf32, #tpu.memory_space<hbm>>
      %dma_start3A_114 = arith.constant 0 : i32
      %dma_start3A_115 = tpu.memref_slice %arg7[%dma_start3A_114] : memref<50080xf32, #tpu.memory_space<vmem>> -> memref<49920xf32, #tpu.memory_space<vmem>>
      %dma_start3A_116 = arith.constant 49920 : i32
      %dma_start3A_117 = tpu.memref_slice %arg4[%add3A, %dma_start3A_116] : memref<32x100000xf32, #tpu.memory_space<hbm>> -> memref<1x49920xf32, #tpu.memory_space<hbm>>
      %dma_start3A_118 = tpu.memref_squeeze %dma_start3A_117 : memref<1x49920xf32, #tpu.memory_space<hbm>> -> memref<49920xf32, #tpu.memory_space<hbm>>
      tpu.enqueue_dma source(%dma_start3A_118 : memref<49920xf32, #tpu.memory_space<hbm>>) target(%dma_start3A_115 : memref<49920xf32, #tpu.memory_space<vmem>>) target_semaphore(%run_scoped3A : memref<!tpu.dma_semaphore, #tpu.memory_space<semaphore_mem>>)
      %dma_wait3A = arith.constant 0 : i32
      %dma_wait3A_119 = tpu.memref_slice %arg7[%dma_wait3A] : memref<50080xf32, #tpu.memory_space<vmem>> -> memref<49920xf32, #tpu.memory_space<vmem>>
      %dma_wait3A_120 = arith.constant 49920 : i32
      %dma_wait3A_121 = tpu.memref_slice %arg4[%add3A, %dma_wait3A_120] : memref<32x100000xf32, #tpu.memory_space<hbm>> -> memref<1x49920xf32, #tpu.memory_space<hbm>>
      %dma_wait3A_122 = tpu.memref_squeeze %dma_wait3A_121 : memref<1x49920xf32, #tpu.memory_space<hbm>> -> memref<49920xf32, #tpu.memory_space<hbm>>
      %dma_wait3A_123 = arith.constant 0 : i32
      %dma_wait3A_124 = tpu.memref_slice %arg7[%dma_wait3A_123] : memref<50080xf32, #tpu.memory_space<vmem>> -> memref<49920xf32, #tpu.memory_space<vmem>>
      %dma_wait3A_125 = arith.constant 49920 : i32
      %dma_wait3A_126 = tpu.memref_slice %arg4[%add3A, %dma_wait3A_125] : memref<32x100000xf32, #tpu.memory_space<hbm>> -> memref<1x49920xf32, #tpu.memory_space<hbm>>
      %dma_wait3A_127 = tpu.memref_squeeze %dma_wait3A_126 : memref<1x49920xf32, #tpu.memory_space<hbm>> -> memref<49920xf32, #tpu.memory_space<hbm>>
      tpu.wait_dma2 semaphore(%run_scoped3A : memref<!tpu.dma_semaphore, #tpu.memory_space<semaphore_mem>>) src(%dma_wait3A_127 : memref<49920xf32, #tpu.memory_space<hbm>>) dst(%dma_wait3A_124 : memref<49920xf32, #tpu.memory_space<vmem>>)
      tpu.yield
    }) : () -> ()
    "tpu.region"() ({
      %run_scoped3A = tpu.sem_alloc : memref<!tpu.dma_semaphore, #tpu.memory_space<semaphore_mem>>
      %dma_start3A = arith.constant 99840 : i32
      %dma_start3A_110 = tpu.memref_slice %arg4[%add3A, %dma_start3A] : memref<32x100000xf32, #tpu.memory_space<hbm>> -> memref<1x160xf32, #tpu.memory_space<hbm>>
      %dma_start3A_111 = tpu.memref_squeeze %dma_start3A_110 : memref<1x160xf32, #tpu.memory_space<hbm>> -> memref<160xf32, #tpu.memory_space<hbm>>
      %dma_start3A_112 = arith.constant 99840 : i32
      %dma_start3A_113 = tpu.memref_slice %arg4[%add3A, %dma_start3A_112] : memref<32x100000xf32, #tpu.memory_space<hbm>> -> memref<1x160xf32, #tpu.memory_space<hbm>>
      %dma_start3A_114 = tpu.memref_squeeze %dma_start3A_113 : memref<1x160xf32, #tpu.memory_space<hbm>> -> memref<160xf32, #tpu.memory_space<hbm>>
      tpu.enqueue_dma source(%dma_start3A_114 : memref<160xf32, #tpu.memory_space<hbm>>) target(%arg8 : memref<160xf32, #tpu.memory_space<vmem>>) target_semaphore(%run_scoped3A : memref<!tpu.dma_semaphore, #tpu.memory_space<semaphore_mem>>)
      %dma_wait3A = arith.constant 99840 : i32
      %dma_wait3A_115 = tpu.memref_slice %arg4[%add3A, %dma_wait3A] : memref<32x100000xf32, #tpu.memory_space<hbm>> -> memref<1x160xf32, #tpu.memory_space<hbm>>
      %dma_wait3A_116 = tpu.memref_squeeze %dma_wait3A_115 : memref<1x160xf32, #tpu.memory_space<hbm>> -> memref<160xf32, #tpu.memory_space<hbm>>
      %dma_wait3A_117 = arith.constant 99840 : i32
      %dma_wait3A_118 = tpu.memref_slice %arg4[%add3A, %dma_wait3A_117] : memref<32x100000xf32, #tpu.memory_space<hbm>> -> memref<1x160xf32, #tpu.memory_space<hbm>>
      %dma_wait3A_119 = tpu.memref_squeeze %dma_wait3A_118 : memref<1x160xf32, #tpu.memory_space<hbm>> -> memref<160xf32, #tpu.memory_space<hbm>>
      tpu.wait_dma2 semaphore(%run_scoped3A : memref<!tpu.dma_semaphore, #tpu.memory_space<semaphore_mem>>) src(%dma_wait3A_119 : memref<160xf32, #tpu.memory_space<hbm>>) dst(%arg8 : memref<160xf32, #tpu.memory_space<vmem>>)
      tpu.yield
    }) : () -> ()
    %get3A = arith.constant 0 : index
    %get3A_3 = tpu.vector_load %arg8[%get3A] {strides = array<i32>} : memref<160xf32, #tpu.memory_space<vmem>>, vector<16xf32>,
    %swap3A = arith.constant 49920 : index
    %swap3A_4 = tpu.vector_load %arg7[%swap3A] {strides = array<i32>} : memref<50080xf32, #tpu.memory_space<vmem>>, vector<16xf32>,
    tpu.vector_store %arg7[%swap3A], %get3A_3 {strides = array<i32>} : memref<50080xf32, #tpu.memory_space<vmem>>, vector<16xf32>,
    %get3A_5 = arith.constant 16 : index
    %get3A_6 = tpu.vector_load %arg8[%get3A_5] {strides = array<i32>} : memref<160xf32, #tpu.memory_space<vmem>>, vector<16xf32>,
    %swap3A_7 = arith.constant 49936 : index
    %swap3A_8 = tpu.vector_load %arg7[%swap3A_7] {strides = array<i32>} : memref<50080xf32, #tpu.memory_space<vmem>>, vector<16xf32>,
    tpu.vector_store %arg7[%swap3A_7], %get3A_6 {strides = array<i32>} : memref<50080xf32, #tpu.memory_space<vmem>>, vector<16xf32>,
    %get3A_9 = arith.constant 32 : index
    %get3A_10 = tpu.vector_load %arg8[%get3A_9] {strides = array<i32>} : memref<160xf32, #tpu.memory_space<vmem>>, vector<16xf32>,
    %swap3A_11 = arith.constant 49952 : index
    %swap3A_12 = tpu.vector_load %arg7[%swap3A_11] {strides = array<i32>} : memref<50080xf32, #tpu.memory_space<vmem>>, vector<16xf32>,
    tpu.vector_store %arg7[%swap3A_11], %get3A_10 {strides = array<i32>} : memref<50080xf32, #tpu.memory_space<vmem>>, vector<16xf32>,
    %get3A_13 = arith.constant 48 : index
    %get3A_14 = tpu.vector_load %arg8[%get3A_13] {strides = array<i32>} : memref<160xf32, #tpu.memory_space<vmem>>, vector<16xf32>,
    %swap3A_15 = arith.constant 49968 : index
    %swap3A_16 = tpu.vector_load %arg7[%swap3A_15] {strides = array<i32>} : memref<50080xf32, #tpu.memory_space<vmem>>, vector<16xf32>,
    tpu.vector_store %arg7[%swap3A_15], %get3A_14 {strides = array<i32>} : memref<50080xf32, #tpu.memory_space<vmem>>, vector<16xf32>,
    %get3A_17 = arith.constant 64 : index
    %get3A_18 = tpu.vector_load %arg8[%get3A_17] {strides = array<i32>} : memref<160xf32, #tpu.memory_space<vmem>>, vector<16xf32>,
    %swap3A_19 = arith.constant 49984 : index
    %swap3A_20 = tpu.vector_load %arg7[%swap3A_19] {strides = array<i32>} : memref<50080xf32, #tpu.memory_space<vmem>>, vector<16xf32>,
    tpu.vector_store %arg7[%swap3A_19], %get3A_18 {strides = array<i32>} : memref<50080xf32, #tpu.memory_space<vmem>>, vector<16xf32>,
    %get3A_21 = arith.constant 80 : index
    %get3A_22 = tpu.vector_load %arg8[%get3A_21] {strides = array<i32>} : memref<160xf32, #tpu.memory_space<vmem>>, vector<16xf32>,
    %swap3A_23 = arith.constant 50000 : index
    %swap3A_24 = tpu.vector_load %arg7[%swap3A_23] {strides = array<i32>} : memref<50080xf32, #tpu.memory_space<vmem>>, vector<16xf32>,
    tpu.vector_store %arg7[%swap3A_23], %get3A_22 {strides = array<i32>} : memref<50080xf32, #tpu.memory_space<vmem>>, vector<16xf32>,
    %get3A_25 = arith.constant 96 : index
    %get3A_26 = tpu.vector_load %arg8[%get3A_25] {strides = array<i32>} : memref<160xf32, #tpu.memory_space<vmem>>, vector<16xf32>,
    %swap3A_27 = arith.constant 50016 : index
    %swap3A_28 = tpu.vector_load %arg7[%swap3A_27] {strides = array<i32>} : memref<50080xf32, #tpu.memory_space<vmem>>, vector<16xf32>,
    tpu.vector_store %arg7[%swap3A_27], %get3A_26 {strides = array<i32>} : memref<50080xf32, #tpu.memory_space<vmem>>, vector<16xf32>,
    %get3A_29 = arith.constant 112 : index
    %get3A_30 = tpu.vector_load %arg8[%get3A_29] {strides = array<i32>} : memref<160xf32, #tpu.memory_space<vmem>>, vector<16xf32>,
    %swap3A_31 = arith.constant 50032 : index
    %swap3A_32 = tpu.vector_load %arg7[%swap3A_31] {strides = array<i32>} : memref<50080xf32, #tpu.memory_space<vmem>>, vector<16xf32>,
    tpu.vector_store %arg7[%swap3A_31], %get3A_30 {strides = array<i32>} : memref<50080xf32, #tpu.memory_space<vmem>>, vector<16xf32>,
    %get3A_33 = arith.constant 128 : index
    %get3A_34 = tpu.vector_load %arg8[%get3A_33] {strides = array<i32>} : memref<160xf32, #tpu.memory_space<vmem>>, vector<16xf32>,
    %swap3A_35 = arith.constant 50048 : index
    %swap3A_36 = tpu.vector_load %arg7[%swap3A_35] {strides = array<i32>} : memref<50080xf32, #tpu.memory_space<vmem>>, vector<16xf32>,
    tpu.vector_store %arg7[%swap3A_35], %get3A_34 {strides = array<i32>} : memref<50080xf32, #tpu.memory_space<vmem>>, vector<16xf32>,
    %get3A_37 = arith.constant 144 : index
    %get3A_38 = tpu.vector_load %arg8[%get3A_37] {strides = array<i32>} : memref<160xf32, #tpu.memory_space<vmem>>, vector<16xf32>,
    %swap3A_39 = arith.constant 50064 : index
    %swap3A_40 = tpu.vector_load %arg7[%swap3A_39] {strides = array<i32>} : memref<50080xf32, #tpu.memory_space<vmem>>, vector<16xf32>,
    tpu.vector_store %arg7[%swap3A_39], %get3A_38 {strides = array<i32>} : memref<50080xf32, #tpu.memory_space<vmem>>, vector<16xf32>,
    %parallel_loop3A_41 = arith.constant 0 : i32
    %parallel_loop3A_42 = arith.constant 16384 : i32
    %parallel_loop3A_43 = arith.constant 16 : i32
    scf.for %parallel_loop3A_110 = %parallel_loop3A_41 to %parallel_loop3A_42 step %parallel_loop3A_43  : i32 {
      %parallel_loop3A_111 = arith.index_cast %parallel_loop3A_110 : i32 to index
      %parallel_loop3A_112 = tpu.vector_load %arg9[%parallel_loop3A_111] {strides = array<i32>} : memref<16384xi32, #tpu.memory_space<vmem>>, vector<16xi32>,
      %parallel_loop3A_113 = arith.constant 49920 : i32
      %parallel_loop3A_114 = vector.broadcast %parallel_loop3A_113 : i32 to vector<16xi32>
      %parallel_loop3A_115 = arith.cmpi sge, %parallel_loop3A_112, %parallel_loop3A_114 : vector<16xi32>
      %parallel_loop3A_116 = arith.constant 49920 : i32
      %parallel_loop3A_117 = vector.broadcast %parallel_loop3A_116 : i32 to vector<16xi32>
      %parallel_loop3A_118 = arith.subi %parallel_loop3A_112, %parallel_loop3A_117 : vector<16xi32>
      %parallel_loop3A_119 = tpu.vector_load_idx %arg7[%parallel_loop3A_118] masked %parallel_loop3A_115 : memref<50080xf32, #tpu.memory_space<vmem>>[vector<16xi32>], vector<16xf32>, vector<16xi1>
      %parallel_loop3A_120 = arith.index_cast %parallel_loop3A_110 : i32 to index
      %parallel_loop3A_121 = tpu.vector_load %arg11[%parallel_loop3A_120] {strides = array<i32>} : memref<16384xf32, #tpu.memory_space<vmem>>, vector<16xf32>,
      %parallel_loop3A_122 = arith.constant 0.000000e+00 : f32
      %parallel_loop3A_123 = vector.broadcast %parallel_loop3A_122 : f32 to vector<16xf32>
      %parallel_loop3A_124 = arith.select %parallel_loop3A_115, %parallel_loop3A_119, %parallel_loop3A_123 : vector<16xi1>, vector<16xf32>
      %parallel_loop3A_125 = arith.addf %parallel_loop3A_121, %parallel_loop3A_124 : vector<16xf32>
      %parallel_loop3A_126 = arith.index_cast %parallel_loop3A_110 : i32 to index
      %parallel_loop3A_127 = tpu.vector_load %arg11[%parallel_loop3A_126] {strides = array<i32>} : memref<16384xf32, #tpu.memory_space<vmem>>, vector<16xf32>,
      tpu.vector_store %arg11[%parallel_loop3A_126], %parallel_loop3A_125 {strides = array<i32>} : memref<16384xf32, #tpu.memory_space<vmem>>, vector<16xf32>,
    } {sc.loop_unroll_factor = 4 : i64, sc.parallel_access}
    "tpu.region"() ({
      %run_scoped3A = tpu.sem_alloc : memref<!tpu.dma_semaphore, #tpu.memory_space<semaphore_mem>>
      %dma_start3A = arith.constant 0 : i32
      %dma_start3A_110 = tpu.memref_slice %arg7[%dma_start3A] : memref<50080xf32, #tpu.memory_space<vmem>> -> memref<49920xf32, #tpu.memory_space<vmem>>
      %dma_start3A_111 = arith.constant 0 : i32
      %dma_start3A_112 = tpu.memref_slice %arg5[%add3A, %dma_start3A_111] : memref<32x100000xf32, #tpu.memory_space<hbm>> -> memref<1x49920xf32, #tpu.memory_space<hbm>>
      %dma_start3A_113 = tpu.memref_squeeze %dma_start3A_112 : memref<1x49920xf32, #tpu.memory_space<hbm>> -> memref<49920xf32, #tpu.memory_space<hbm>>
      %dma_start3A_114 = arith.constant 0 : i32
      %dma_start3A_115 = tpu.memref_slice %arg7[%dma_start3A_114] : memref<50080xf32, #tpu.memory_space<vmem>> -> memref<49920xf32, #tpu.memory_space<vmem>>
      %dma_start3A_116 = arith.constant 0 : i32
      %dma_start3A_117 = tpu.memref_slice %arg5[%add3A, %dma_start3A_116] : memref<32x100000xf32, #tpu.memory_space<hbm>> -> memref<1x49920xf32, #tpu.memory_space<hbm>>
      %dma_start3A_118 = tpu.memref_squeeze %dma_start3A_117 : memref<1x49920xf32, #tpu.memory_space<hbm>> -> memref<49920xf32, #tpu.memory_space<hbm>>
      tpu.enqueue_dma source(%dma_start3A_118 : memref<49920xf32, #tpu.memory_space<hbm>>) target(%dma_start3A_115 : memref<49920xf32, #tpu.memory_space<vmem>>) target_semaphore(%run_scoped3A : memref<!tpu.dma_semaphore, #tpu.memory_space<semaphore_mem>>)
      %dma_wait3A = arith.constant 0 : i32
      %dma_wait3A_119 = tpu.memref_slice %arg7[%dma_wait3A] : memref<50080xf32, #tpu.memory_space<vmem>> -> memref<49920xf32, #tpu.memory_space<vmem>>
      %dma_wait3A_120 = arith.constant 0 : i32
      %dma_wait3A_121 = tpu.memref_slice %arg5[%add3A, %dma_wait3A_120] : memref<32x100000xf32, #tpu.memory_space<hbm>> -> memref<1x49920xf32, #tpu.memory_space<hbm>>
      %dma_wait3A_122 = tpu.memref_squeeze %dma_wait3A_121 : memref<1x49920xf32, #tpu.memory_space<hbm>> -> memref<49920xf32, #tpu.memory_space<hbm>>
      %dma_wait3A_123 = arith.constant 0 : i32
      %dma_wait3A_124 = tpu.memref_slice %arg7[%dma_wait3A_123] : memref<50080xf32, #tpu.memory_space<vmem>> -> memref<49920xf32, #tpu.memory_space<vmem>>
      %dma_wait3A_125 = arith.constant 0 : i32
      %dma_wait3A_126 = tpu.memref_slice %arg5[%add3A, %dma_wait3A_125] : memref<32x100000xf32, #tpu.memory_space<hbm>> -> memref<1x49920xf32, #tpu.memory_space<hbm>>
      %dma_wait3A_127 = tpu.memref_squeeze %dma_wait3A_126 : memref<1x49920xf32, #tpu.memory_space<hbm>> -> memref<49920xf32, #tpu.memory_space<hbm>>
      tpu.wait_dma2 semaphore(%run_scoped3A : memref<!tpu.dma_semaphore, #tpu.memory_space<semaphore_mem>>) src(%dma_wait3A_127 : memref<49920xf32, #tpu.memory_space<hbm>>) dst(%dma_wait3A_124 : memref<49920xf32, #tpu.memory_space<vmem>>)
      tpu.yield
    }) : () -> ()
    "tpu.region"() ({
      %run_scoped3A = tpu.sem_alloc : memref<!tpu.dma_semaphore, #tpu.memory_space<semaphore_mem>>
      %dma_start3A = arith.constant 0 : i32
      %dma_start3A_110 = tpu.memref_slice %arg3[%dma_start3A] : memref<16384xi32, #tpu.memory_space<hbm>> -> memref<8192xi32, #tpu.memory_space<hbm>>
      %dma_start3A_111 = arith.constant 0 : i32
      %dma_start3A_112 = tpu.memref_slice %arg3[%dma_start3A_111] : memref<16384xi32, #tpu.memory_space<hbm>> -> memref<8192xi32, #tpu.memory_space<hbm>>
      tpu.enqueue_dma source(%dma_start3A_112 : memref<8192xi32, #tpu.memory_space<hbm>>) target(%arg10 : memref<8192xi32, #tpu.memory_space<vmem>>) target_semaphore(%run_scoped3A : memref<!tpu.dma_semaphore, #tpu.memory_space<semaphore_mem>>)
      %dma_wait3A = arith.constant 0 : i32
      %dma_wait3A_113 = tpu.memref_slice %arg3[%dma_wait3A] : memref<16384xi32, #tpu.memory_space<hbm>> -> memref<8192xi32, #tpu.memory_space<hbm>>
      %dma_wait3A_114 = arith.constant 0 : i32
      %dma_wait3A_115 = tpu.memref_slice %arg3[%dma_wait3A_114] : memref<16384xi32, #tpu.memory_space<hbm>> -> memref<8192xi32, #tpu.memory_space<hbm>>
      tpu.wait_dma2 semaphore(%run_scoped3A : memref<!tpu.dma_semaphore, #tpu.memory_space<semaphore_mem>>) src(%dma_wait3A_115 : memref<8192xi32, #tpu.memory_space<hbm>>) dst(%arg10 : memref<8192xi32, #tpu.memory_space<vmem>>)
      tpu.yield
    }) : () -> ()
    %parallel_loop3A_44 = arith.constant 0 : i32
    %parallel_loop3A_45 = arith.constant 8192 : i32
    %parallel_loop3A_46 = arith.constant 16 : i32
    scf.for %parallel_loop3A_110 = %parallel_loop3A_44 to %parallel_loop3A_45 step %parallel_loop3A_46  : i32 {
      %parallel_loop3A_111 = arith.constant 0 : i32
      %parallel_loop3A_112 = arith.addi %parallel_loop3A_111, %parallel_loop3A_110 : i32
      %parallel_loop3A_113 = arith.index_cast %parallel_loop3A_110 : i32 to index
      %parallel_loop3A_114 = tpu.vector_load %arg10[%parallel_loop3A_113] {strides = array<i32>} : memref<8192xi32, #tpu.memory_space<vmem>>, vector<16xi32>,
      %parallel_loop3A_115 = arith.constant 49920 : i32
      %parallel_loop3A_116 = vector.broadcast %parallel_loop3A_115 : i32 to vector<16xi32>
      %parallel_loop3A_117 = arith.cmpi slt, %parallel_loop3A_114, %parallel_loop3A_116 : vector<16xi32>
      %parallel_loop3A_118 = tpu.vector_load_idx %arg7[%parallel_loop3A_114] masked %parallel_loop3A_117 : memref<50080xf32, #tpu.memory_space<vmem>>[vector<16xi32>], vector<16xf32>, vector<16xi1>
      %parallel_loop3A_119 = arith.constant 0.000000e+00 : f32
      %parallel_loop3A_120 = vector.broadcast %parallel_loop3A_119 : f32 to vector<16xf32>
      %parallel_loop3A_121 = arith.select %parallel_loop3A_117, %parallel_loop3A_118, %parallel_loop3A_120 : vector<16xi1>, vector<16xf32>
      %parallel_loop3A_122 = arith.index_cast %parallel_loop3A_112 : i32 to index
      %parallel_loop3A_123 = tpu.vector_load %arg11[%parallel_loop3A_122] {strides = array<i32>} : memref<16384xf32, #tpu.memory_space<vmem>>, vector<16xf32>,
      %parallel_loop3A_124 = arith.mulf %parallel_loop3A_121, %parallel_loop3A_123 : vector<16xf32>
      %parallel_loop3A_125 = arith.index_cast %parallel_loop3A_112 : i32 to index
      %parallel_loop3A_126 = tpu.vector_load %arg12[%parallel_loop3A_125] {strides = array<i32>} : memref<16384xf32, #tpu.memory_space<vmem>>, vector<16xf32>,
      tpu.vector_store %arg12[%parallel_loop3A_125], %parallel_loop3A_124 {strides = array<i32>} : memref<16384xf32, #tpu.memory_space<vmem>>, vector<16xf32>,
    } {sc.loop_unroll_factor = 4 : i64, sc.parallel_access}
    "tpu.region"() ({
      %run_scoped3A = tpu.sem_alloc : memref<!tpu.dma_semaphore, #tpu.memory_space<semaphore_mem>>
      %dma_start3A = arith.constant 8192 : i32
      %dma_start3A_110 = tpu.memref_slice %arg3[%dma_start3A] : memref<16384xi32, #tpu.memory_space<hbm>> -> memref<8192xi32, #tpu.memory_space<hbm>>
      %dma_start3A_111 = arith.constant 8192 : i32
      %dma_start3A_112 = tpu.memref_slice %arg3[%dma_start3A_111] : memref<16384xi32, #tpu.memory_space<hbm>> -> memref<8192xi32, #tpu.memory_space<hbm>>
      tpu.enqueue_dma source(%dma_start3A_112 : memref<8192xi32, #tpu.memory_space<hbm>>) target(%arg10 : memref<8192xi32, #tpu.memory_space<vmem>>) target_semaphore(%run_scoped3A : memref<!tpu.dma_semaphore, #tpu.memory_space<semaphore_mem>>)
      %dma_wait3A = arith.constant 8192 : i32
      %dma_wait3A_113 = tpu.memref_slice %arg3[%dma_wait3A] : memref<16384xi32, #tpu.memory_space<hbm>> -> memref<8192xi32, #tpu.memory_space<hbm>>
      %dma_wait3A_114 = arith.constant 8192 : i32
      %dma_wait3A_115 = tpu.memref_slice %arg3[%dma_wait3A_114] : memref<16384xi32, #tpu.memory_space<hbm>> -> memref<8192xi32, #tpu.memory_space<hbm>>
      tpu.wait_dma2 semaphore(%run_scoped3A : memref<!tpu.dma_semaphore, #tpu.memory_space<semaphore_mem>>) src(%dma_wait3A_115 : memref<8192xi32, #tpu.memory_space<hbm>>) dst(%arg10 : memref<8192xi32, #tpu.memory_space<vmem>>)
      tpu.yield
    }) : () -> ()
    %parallel_loop3A_47 = arith.constant 0 : i32
    %parallel_loop3A_48 = arith.constant 8192 : i32
    %parallel_loop3A_49 = arith.constant 16 : i32
    scf.for %parallel_loop3A_110 = %parallel_loop3A_47 to %parallel_loop3A_48 step %parallel_loop3A_49  : i32 {
      %parallel_loop3A_111 = arith.constant 8192 : i32
      %parallel_loop3A_112 = arith.addi %parallel_loop3A_111, %parallel_loop3A_110 : i32
      %parallel_loop3A_113 = arith.index_cast %parallel_loop3A_110 : i32 to index
      %parallel_loop3A_114 = tpu.vector_load %arg10[%parallel_loop3A_113] {strides = array<i32>} : memref<8192xi32, #tpu.memory_space<vmem>>, vector<16xi32>,
      %parallel_loop3A_115 = arith.constant 49920 : i32
      %parallel_loop3A_116 = vector.broadcast %parallel_loop3A_115 : i32 to vector<16xi32>
      %parallel_loop3A_117 = arith.cmpi slt, %parallel_loop3A_114, %parallel_loop3A_116 : vector<16xi32>
      %parallel_loop3A_118 = tpu.vector_load_idx %arg7[%parallel_loop3A_114] masked %parallel_loop3A_117 : memref<50080xf32, #tpu.memory_space<vmem>>[vector<16xi32>], vector<16xf32>, vector<16xi1>
      %parallel_loop3A_119 = arith.constant 0.000000e+00 : f32
      %parallel_loop3A_120 = vector.broadcast %parallel_loop3A_119 : f32 to vector<16xf32>
      %parallel_loop3A_121 = arith.select %parallel_loop3A_117, %parallel_loop3A_118, %parallel_loop3A_120 : vector<16xi1>, vector<16xf32>
      %parallel_loop3A_122 = arith.index_cast %parallel_loop3A_112 : i32 to index
      %parallel_loop3A_123 = tpu.vector_load %arg11[%parallel_loop3A_122] {strides = array<i32>} : memref<16384xf32, #tpu.memory_space<vmem>>, vector<16xf32>,
      %parallel_loop3A_124 = arith.mulf %parallel_loop3A_121, %parallel_loop3A_123 : vector<16xf32>
      %parallel_loop3A_125 = arith.index_cast %parallel_loop3A_112 : i32 to index
      %parallel_loop3A_126 = tpu.vector_load %arg12[%parallel_loop3A_125] {strides = array<i32>} : memref<16384xf32, #tpu.memory_space<vmem>>, vector<16xf32>,
      tpu.vector_store %arg12[%parallel_loop3A_125], %parallel_loop3A_124 {strides = array<i32>} : memref<16384xf32, #tpu.memory_space<vmem>>, vector<16xf32>,
    } {sc.loop_unroll_factor = 4 : i64, sc.parallel_access}
    "tpu.region"() ({
      %run_scoped3A = tpu.sem_alloc : memref<!tpu.dma_semaphore, #tpu.memory_space<semaphore_mem>>
      %dma_start3A = arith.constant 0 : i32
      %dma_start3A_110 = tpu.memref_slice %arg7[%dma_start3A] : memref<50080xf32, #tpu.memory_space<vmem>> -> memref<49920xf32, #tpu.memory_space<vmem>>
      %dma_start3A_111 = arith.constant 49920 : i32
      %dma_start3A_112 = tpu.memref_slice %arg5[%add3A, %dma_start3A_111] : memref<32x100000xf32, #tpu.memory_space<hbm>> -> memref<1x49920xf32, #tpu.memory_space<hbm>>
      %dma_start3A_113 = tpu.memref_squeeze %dma_start3A_112 : memref<1x49920xf32, #tpu.memory_space<hbm>> -> memref<49920xf32, #tpu.memory_space<hbm>>
      %dma_start3A_114 = arith.constant 0 : i32
      %dma_start3A_115 = tpu.memref_slice %arg7[%dma_start3A_114] : memref<50080xf32, #tpu.memory_space<vmem>> -> memref<49920xf32, #tpu.memory_space<vmem>>
      %dma_start3A_116 = arith.constant 49920 : i32
      %dma_start3A_117 = tpu.memref_slice %arg5[%add3A, %dma_start3A_116] : memref<32x100000xf32, #tpu.memory_space<hbm>> -> memref<1x49920xf32, #tpu.memory_space<hbm>>
      %dma_start3A_118 = tpu.memref_squeeze %dma_start3A_117 : memref<1x49920xf32, #tpu.memory_space<hbm>> -> memref<49920xf32, #tpu.memory_space<hbm>>
      tpu.enqueue_dma source(%dma_start3A_118 : memref<49920xf32, #tpu.memory_space<hbm>>) target(%dma_start3A_115 : memref<49920xf32, #tpu.memory_space<vmem>>) target_semaphore(%run_scoped3A : memref<!tpu.dma_semaphore, #tpu.memory_space<semaphore_mem>>)
      %dma_wait3A = arith.constant 0 : i32
      %dma_wait3A_119 = tpu.memref_slice %arg7[%dma_wait3A] : memref<50080xf32, #tpu.memory_space<vmem>> -> memref<49920xf32, #tpu.memory_space<vmem>>
      %dma_wait3A_120 = arith.constant 49920 : i32
      %dma_wait3A_121 = tpu.memref_slice %arg5[%add3A, %dma_wait3A_120] : memref<32x100000xf32, #tpu.memory_space<hbm>> -> memref<1x49920xf32, #tpu.memory_space<hbm>>
      %dma_wait3A_122 = tpu.memref_squeeze %dma_wait3A_121 : memref<1x49920xf32, #tpu.memory_space<hbm>> -> memref<49920xf32, #tpu.memory_space<hbm>>
      %dma_wait3A_123 = arith.constant 0 : i32
      %dma_wait3A_124 = tpu.memref_slice %arg7[%dma_wait3A_123] : memref<50080xf32, #tpu.memory_space<vmem>> -> memref<49920xf32, #tpu.memory_space<vmem>>
      %dma_wait3A_125 = arith.constant 49920 : i32
      %dma_wait3A_126 = tpu.memref_slice %arg5[%add3A, %dma_wait3A_125] : memref<32x100000xf32, #tpu.memory_space<hbm>> -> memref<1x49920xf32, #tpu.memory_space<hbm>>
      %dma_wait3A_127 = tpu.memref_squeeze %dma_wait3A_126 : memref<1x49920xf32, #tpu.memory_space<hbm>> -> memref<49920xf32, #tpu.memory_space<hbm>>
      tpu.wait_dma2 semaphore(%run_scoped3A : memref<!tpu.dma_semaphore, #tpu.memory_space<semaphore_mem>>) src(%dma_wait3A_127 : memref<49920xf32, #tpu.memory_space<hbm>>) dst(%dma_wait3A_124 : memref<49920xf32, #tpu.memory_space<vmem>>)
      tpu.yield
    }) : () -> ()
    "tpu.region"() ({
      %run_scoped3A = tpu.sem_alloc : memref<!tpu.dma_semaphore, #tpu.memory_space<semaphore_mem>>
      %dma_start3A = arith.constant 99840 : i32
      %dma_start3A_110 = tpu.memref_slice %arg5[%add3A, %dma_start3A] : memref<32x100000xf32, #tpu.memory_space<hbm>> -> memref<1x160xf32, #tpu.memory_space<hbm>>
      %dma_start3A_111 = tpu.memref_squeeze %dma_start3A_110 : memref<1x160xf32, #tpu.memory_space<hbm>> -> memref<160xf32, #tpu.memory_space<hbm>>
      %dma_start3A_112 = arith.constant 99840 : i32
      %dma_start3A_113 = tpu.memref_slice %arg5[%add3A, %dma_start3A_112] : memref<32x100000xf32, #tpu.memory_space<hbm>> -> memref<1x160xf32, #tpu.memory_space<hbm>>
      %dma_start3A_114 = tpu.memref_squeeze %dma_start3A_113 : memref<1x160xf32, #tpu.memory_space<hbm>> -> memref<160xf32, #tpu.memory_space<hbm>>
      tpu.enqueue_dma source(%dma_start3A_114 : memref<160xf32, #tpu.memory_space<hbm>>) target(%arg8 : memref<160xf32, #tpu.memory_space<vmem>>) target_semaphore(%run_scoped3A : memref<!tpu.dma_semaphore, #tpu.memory_space<semaphore_mem>>)
      %dma_wait3A = arith.constant 99840 : i32
      %dma_wait3A_115 = tpu.memref_slice %arg5[%add3A, %dma_wait3A] : memref<32x100000xf32, #tpu.memory_space<hbm>> -> memref<1x160xf32, #tpu.memory_space<hbm>>
      %dma_wait3A_116 = tpu.memref_squeeze %dma_wait3A_115 : memref<1x160xf32, #tpu.memory_space<hbm>> -> memref<160xf32, #tpu.memory_space<hbm>>
      %dma_wait3A_117 = arith.constant 99840 : i32
      %dma_wait3A_118 = tpu.memref_slice %arg5[%add3A, %dma_wait3A_117] : memref<32x100000xf32, #tpu.memory_space<hbm>> -> memref<1x160xf32, #tpu.memory_space<hbm>>
      %dma_wait3A_119 = tpu.memref_squeeze %dma_wait3A_118 : memref<1x160xf32, #tpu.memory_space<hbm>> -> memref<160xf32, #tpu.memory_space<hbm>>
      tpu.wait_dma2 semaphore(%run_scoped3A : memref<!tpu.dma_semaphore, #tpu.memory_space<semaphore_mem>>) src(%dma_wait3A_119 : memref<160xf32, #tpu.memory_space<hbm>>) dst(%arg8 : memref<160xf32, #tpu.memory_space<vmem>>)
      tpu.yield
    }) : () -> ()
    %get3A_50 = arith.constant 0 : index
    %get3A_51 = tpu.vector_load %arg8[%get3A_50] {strides = array<i32>} : memref<160xf32, #tpu.memory_space<vmem>>, vector<16xf32>,
    %swap3A_52 = arith.constant 49920 : index
    %swap3A_53 = tpu.vector_load %arg7[%swap3A_52] {strides = array<i32>} : memref<50080xf32, #tpu.memory_space<vmem>>, vector<16xf32>,
    tpu.vector_store %arg7[%swap3A_52], %get3A_51 {strides = array<i32>} : memref<50080xf32, #tpu.memory_space<vmem>>, vector<16xf32>,
    %get3A_54 = arith.constant 16 : index
    %get3A_55 = tpu.vector_load %arg8[%get3A_54] {strides = array<i32>} : memref<160xf32, #tpu.memory_space<vmem>>, vector<16xf32>,
    %swap3A_56 = arith.constant 49936 : index
    %swap3A_57 = tpu.vector_load %arg7[%swap3A_56] {strides = array<i32>} : memref<50080xf32, #tpu.memory_space<vmem>>, vector<16xf32>,
    tpu.vector_store %arg7[%swap3A_56], %get3A_55 {strides = array<i32>} : memref<50080xf32, #tpu.memory_space<vmem>>, vector<16xf32>,
    %get3A_58 = arith.constant 32 : index
    %get3A_59 = tpu.vector_load %arg8[%get3A_58] {strides = array<i32>} : memref<160xf32, #tpu.memory_space<vmem>>, vector<16xf32>,
    %swap3A_60 = arith.constant 49952 : index
    %swap3A_61 = tpu.vector_load %arg7[%swap3A_60] {strides = array<i32>} : memref<50080xf32, #tpu.memory_space<vmem>>, vector<16xf32>,
    tpu.vector_store %arg7[%swap3A_60], %get3A_59 {strides = array<i32>} : memref<50080xf32, #tpu.memory_space<vmem>>, vector<16xf32>,
    %get3A_62 = arith.constant 48 : index
    %get3A_63 = tpu.vector_load %arg8[%get3A_62] {strides = array<i32>} : memref<160xf32, #tpu.memory_space<vmem>>, vector<16xf32>,
    %swap3A_64 = arith.constant 49968 : index
    %swap3A_65 = tpu.vector_load %arg7[%swap3A_64] {strides = array<i32>} : memref<50080xf32, #tpu.memory_space<vmem>>, vector<16xf32>,
    tpu.vector_store %arg7[%swap3A_64], %get3A_63 {strides = array<i32>} : memref<50080xf32, #tpu.memory_space<vmem>>, vector<16xf32>,
    %get3A_66 = arith.constant 64 : index
    %get3A_67 = tpu.vector_load %arg8[%get3A_66] {strides = array<i32>} : memref<160xf32, #tpu.memory_space<vmem>>, vector<16xf32>,
    %swap3A_68 = arith.constant 49984 : index
    %swap3A_69 = tpu.vector_load %arg7[%swap3A_68] {strides = array<i32>} : memref<50080xf32, #tpu.memory_space<vmem>>, vector<16xf32>,
    tpu.vector_store %arg7[%swap3A_68], %get3A_67 {strides = array<i32>} : memref<50080xf32, #tpu.memory_space<vmem>>, vector<16xf32>,
    %get3A_70 = arith.constant 80 : index
    %get3A_71 = tpu.vector_load %arg8[%get3A_70] {strides = array<i32>} : memref<160xf32, #tpu.memory_space<vmem>>, vector<16xf32>,
    %swap3A_72 = arith.constant 50000 : index
    %swap3A_73 = tpu.vector_load %arg7[%swap3A_72] {strides = array<i32>} : memref<50080xf32, #tpu.memory_space<vmem>>, vector<16xf32>,
    tpu.vector_store %arg7[%swap3A_72], %get3A_71 {strides = array<i32>} : memref<50080xf32, #tpu.memory_space<vmem>>, vector<16xf32>,
    %get3A_74 = arith.constant 96 : index
    %get3A_75 = tpu.vector_load %arg8[%get3A_74] {strides = array<i32>} : memref<160xf32, #tpu.memory_space<vmem>>, vector<16xf32>,
    %swap3A_76 = arith.constant 50016 : index
    %swap3A_77 = tpu.vector_load %arg7[%swap3A_76] {strides = array<i32>} : memref<50080xf32, #tpu.memory_space<vmem>>, vector<16xf32>,
    tpu.vector_store %arg7[%swap3A_76], %get3A_75 {strides = array<i32>} : memref<50080xf32, #tpu.memory_space<vmem>>, vector<16xf32>,
    %get3A_78 = arith.constant 112 : index
    %get3A_79 = tpu.vector_load %arg8[%get3A_78] {strides = array<i32>} : memref<160xf32, #tpu.memory_space<vmem>>, vector<16xf32>,
    %swap3A_80 = arith.constant 50032 : index
    %swap3A_81 = tpu.vector_load %arg7[%swap3A_80] {strides = array<i32>} : memref<50080xf32, #tpu.memory_space<vmem>>, vector<16xf32>,
    tpu.vector_store %arg7[%swap3A_80], %get3A_79 {strides = array<i32>} : memref<50080xf32, #tpu.memory_space<vmem>>, vector<16xf32>,
    %get3A_82 = arith.constant 128 : index
    %get3A_83 = tpu.vector_load %arg8[%get3A_82] {strides = array<i32>} : memref<160xf32, #tpu.memory_space<vmem>>, vector<16xf32>,
    %swap3A_84 = arith.constant 50048 : index
    %swap3A_85 = tpu.vector_load %arg7[%swap3A_84] {strides = array<i32>} : memref<50080xf32, #tpu.memory_space<vmem>>, vector<16xf32>,
    tpu.vector_store %arg7[%swap3A_84], %get3A_83 {strides = array<i32>} : memref<50080xf32, #tpu.memory_space<vmem>>, vector<16xf32>,
    %get3A_86 = arith.constant 144 : index
    %get3A_87 = tpu.vector_load %arg8[%get3A_86] {strides = array<i32>} : memref<160xf32, #tpu.memory_space<vmem>>, vector<16xf32>,
    %swap3A_88 = arith.constant 50064 : index
    %swap3A_89 = tpu.vector_load %arg7[%swap3A_88] {strides = array<i32>} : memref<50080xf32, #tpu.memory_space<vmem>>, vector<16xf32>,
    tpu.vector_store %arg7[%swap3A_88], %get3A_87 {strides = array<i32>} : memref<50080xf32, #tpu.memory_space<vmem>>, vector<16xf32>,
    "tpu.region"() ({
      %run_scoped3A = tpu.sem_alloc : memref<!tpu.dma_semaphore, #tpu.memory_space<semaphore_mem>>
      %dma_start3A = arith.constant 0 : i32
      %dma_start3A_110 = tpu.memref_slice %arg3[%dma_start3A] : memref<16384xi32, #tpu.memory_space<hbm>> -> memref<8192xi32, #tpu.memory_space<hbm>>
      %dma_start3A_111 = arith.constant 0 : i32
      %dma_start3A_112 = tpu.memref_slice %arg3[%dma_start3A_111] : memref<16384xi32, #tpu.memory_space<hbm>> -> memref<8192xi32, #tpu.memory_space<hbm>>
      tpu.enqueue_dma source(%dma_start3A_112 : memref<8192xi32, #tpu.memory_space<hbm>>) target(%arg10 : memref<8192xi32, #tpu.memory_space<vmem>>) target_semaphore(%run_scoped3A : memref<!tpu.dma_semaphore, #tpu.memory_space<semaphore_mem>>)
      %dma_wait3A = arith.constant 0 : i32
      %dma_wait3A_113 = tpu.memref_slice %arg3[%dma_wait3A] : memref<16384xi32, #tpu.memory_space<hbm>> -> memref<8192xi32, #tpu.memory_space<hbm>>
      %dma_wait3A_114 = arith.constant 0 : i32
      %dma_wait3A_115 = tpu.memref_slice %arg3[%dma_wait3A_114] : memref<16384xi32, #tpu.memory_space<hbm>> -> memref<8192xi32, #tpu.memory_space<hbm>>
      tpu.wait_dma2 semaphore(%run_scoped3A : memref<!tpu.dma_semaphore, #tpu.memory_space<semaphore_mem>>) src(%dma_wait3A_115 : memref<8192xi32, #tpu.memory_space<hbm>>) dst(%arg10 : memref<8192xi32, #tpu.memory_space<vmem>>)
      tpu.yield
    }) : () -> ()
    %parallel_loop3A_90 = arith.constant 0 : i32
    %parallel_loop3A_91 = arith.constant 8192 : i32
    %parallel_loop3A_92 = arith.constant 16 : i32
    scf.for %parallel_loop3A_110 = %parallel_loop3A_90 to %parallel_loop3A_91 step %parallel_loop3A_92  : i32 {
      %parallel_loop3A_111 = arith.constant 0 : i32
      %parallel_loop3A_112 = arith.addi %parallel_loop3A_111, %parallel_loop3A_110 : i32
      %parallel_loop3A_113 = arith.index_cast %parallel_loop3A_110 : i32 to index
      %parallel_loop3A_114 = tpu.vector_load %arg10[%parallel_loop3A_113] {strides = array<i32>} : memref<8192xi32, #tpu.memory_space<vmem>>, vector<16xi32>,
      %parallel_loop3A_115 = arith.constant 49920 : i32
      %parallel_loop3A_116 = vector.broadcast %parallel_loop3A_115 : i32 to vector<16xi32>
      %parallel_loop3A_117 = arith.cmpi sge, %parallel_loop3A_114, %parallel_loop3A_116 : vector<16xi32>
      %parallel_loop3A_118 = arith.constant 49920 : i32
      %parallel_loop3A_119 = vector.broadcast %parallel_loop3A_118 : i32 to vector<16xi32>
      %parallel_loop3A_120 = arith.subi %parallel_loop3A_114, %parallel_loop3A_119 : vector<16xi32>
      %parallel_loop3A_121 = tpu.vector_load_idx %arg7[%parallel_loop3A_120] masked %parallel_loop3A_117 : memref<50080xf32, #tpu.memory_space<vmem>>[vector<16xi32>], vector<16xf32>, vector<16xi1>
      %parallel_loop3A_122 = arith.index_cast %parallel_loop3A_112 : i32 to index
      %parallel_loop3A_123 = tpu.vector_load %arg12[%parallel_loop3A_122] {strides = array<i32>} : memref<16384xf32, #tpu.memory_space<vmem>>, vector<16xf32>,
      %parallel_loop3A_124 = arith.constant 0.000000e+00 : f32
      %parallel_loop3A_125 = vector.broadcast %parallel_loop3A_124 : f32 to vector<16xf32>
      %parallel_loop3A_126 = arith.select %parallel_loop3A_117, %parallel_loop3A_121, %parallel_loop3A_125 : vector<16xi1>, vector<16xf32>
      %parallel_loop3A_127 = arith.index_cast %parallel_loop3A_112 : i32 to index
      %parallel_loop3A_128 = tpu.vector_load %arg11[%parallel_loop3A_127] {strides = array<i32>} : memref<16384xf32, #tpu.memory_space<vmem>>, vector<16xf32>,
      %parallel_loop3A_129 = arith.mulf %parallel_loop3A_126, %parallel_loop3A_128 : vector<16xf32>
      %parallel_loop3A_130 = arith.addf %parallel_loop3A_123, %parallel_loop3A_129 : vector<16xf32>
      %parallel_loop3A_131 = arith.index_cast %parallel_loop3A_112 : i32 to index
      %parallel_loop3A_132 = tpu.vector_load %arg12[%parallel_loop3A_131] {strides = array<i32>} : memref<16384xf32, #tpu.memory_space<vmem>>, vector<16xf32>,
      tpu.vector_store %arg12[%parallel_loop3A_131], %parallel_loop3A_130 {strides = array<i32>} : memref<16384xf32, #tpu.memory_space<vmem>>, vector<16xf32>,
    } {sc.loop_unroll_factor = 4 : i64, sc.parallel_access}
    "tpu.region"() ({
      %run_scoped3A = tpu.sem_alloc : memref<!tpu.dma_semaphore, #tpu.memory_space<semaphore_mem>>
      %dma_start3A = arith.constant 8192 : i32
      %dma_start3A_110 = tpu.memref_slice %arg3[%dma_start3A] : memref<16384xi32, #tpu.memory_space<hbm>> -> memref<8192xi32, #tpu.memory_space<hbm>>
      %dma_start3A_111 = arith.constant 8192 : i32
      %dma_start3A_112 = tpu.memref_slice %arg3[%dma_start3A_111] : memref<16384xi32, #tpu.memory_space<hbm>> -> memref<8192xi32, #tpu.memory_space<hbm>>
      tpu.enqueue_dma source(%dma_start3A_112 : memref<8192xi32, #tpu.memory_space<hbm>>) target(%arg10 : memref<8192xi32, #tpu.memory_space<vmem>>) target_semaphore(%run_scoped3A : memref<!tpu.dma_semaphore, #tpu.memory_space<semaphore_mem>>)
      %dma_wait3A = arith.constant 8192 : i32
      %dma_wait3A_113 = tpu.memref_slice %arg3[%dma_wait3A] : memref<16384xi32, #tpu.memory_space<hbm>> -> memref<8192xi32, #tpu.memory_space<hbm>>
      %dma_wait3A_114 = arith.constant 8192 : i32
      %dma_wait3A_115 = tpu.memref_slice %arg3[%dma_wait3A_114] : memref<16384xi32, #tpu.memory_space<hbm>> -> memref<8192xi32, #tpu.memory_space<hbm>>
      tpu.wait_dma2 semaphore(%run_scoped3A : memref<!tpu.dma_semaphore, #tpu.memory_space<semaphore_mem>>) src(%dma_wait3A_115 : memref<8192xi32, #tpu.memory_space<hbm>>) dst(%arg10 : memref<8192xi32, #tpu.memory_space<vmem>>)
      tpu.yield
    }) : () -> ()
    %parallel_loop3A_93 = arith.constant 0 : i32
    %parallel_loop3A_94 = arith.constant 8192 : i32
    %parallel_loop3A_95 = arith.constant 16 : i32
    scf.for %parallel_loop3A_110 = %parallel_loop3A_93 to %parallel_loop3A_94 step %parallel_loop3A_95  : i32 {
      %parallel_loop3A_111 = arith.constant 8192 : i32
      %parallel_loop3A_112 = arith.addi %parallel_loop3A_111, %parallel_loop3A_110 : i32
      %parallel_loop3A_113 = arith.index_cast %parallel_loop3A_110 : i32 to index
      %parallel_loop3A_114 = tpu.vector_load %arg10[%parallel_loop3A_113] {strides = array<i32>} : memref<8192xi32, #tpu.memory_space<vmem>>, vector<16xi32>,
      %parallel_loop3A_115 = arith.constant 49920 : i32
      %parallel_loop3A_116 = vector.broadcast %parallel_loop3A_115 : i32 to vector<16xi32>
      %parallel_loop3A_117 = arith.cmpi sge, %parallel_loop3A_114, %parallel_loop3A_116 : vector<16xi32>
      %parallel_loop3A_118 = arith.constant 49920 : i32
      %parallel_loop3A_119 = vector.broadcast %parallel_loop3A_118 : i32 to vector<16xi32>
      %parallel_loop3A_120 = arith.subi %parallel_loop3A_114, %parallel_loop3A_119 : vector<16xi32>
      %parallel_loop3A_121 = tpu.vector_load_idx %arg7[%parallel_loop3A_120] masked %parallel_loop3A_117 : memref<50080xf32, #tpu.memory_space<vmem>>[vector<16xi32>], vector<16xf32>, vector<16xi1>
      %parallel_loop3A_122 = arith.index_cast %parallel_loop3A_112 : i32 to index
      %parallel_loop3A_123 = tpu.vector_load %arg12[%parallel_loop3A_122] {strides = array<i32>} : memref<16384xf32, #tpu.memory_space<vmem>>, vector<16xf32>,
      %parallel_loop3A_124 = arith.constant 0.000000e+00 : f32
      %parallel_loop3A_125 = vector.broadcast %parallel_loop3A_124 : f32 to vector<16xf32>
      %parallel_loop3A_126 = arith.select %parallel_loop3A_117, %parallel_loop3A_121, %parallel_loop3A_125 : vector<16xi1>, vector<16xf32>
      %parallel_loop3A_127 = arith.index_cast %parallel_loop3A_112 : i32 to index
      %parallel_loop3A_128 = tpu.vector_load %arg11[%parallel_loop3A_127] {strides = array<i32>} : memref<16384xf32, #tpu.memory_space<vmem>>, vector<16xf32>,
      %parallel_loop3A_129 = arith.mulf %parallel_loop3A_126, %parallel_loop3A_128 : vector<16xf32>
      %parallel_loop3A_130 = arith.addf %parallel_loop3A_123, %parallel_loop3A_129 : vector<16xf32>
      %parallel_loop3A_131 = arith.index_cast %parallel_loop3A_112 : i32 to index
      %parallel_loop3A_132 = tpu.vector_load %arg12[%parallel_loop3A_131] {strides = array<i32>} : memref<16384xf32, #tpu.memory_space<vmem>>, vector<16xf32>,
      tpu.vector_store %arg12[%parallel_loop3A_131], %parallel_loop3A_130 {strides = array<i32>} : memref<16384xf32, #tpu.memory_space<vmem>>, vector<16xf32>,
    } {sc.loop_unroll_factor = 4 : i64, sc.parallel_access}
    "tpu.region"() ({
      %run_scoped3A = tpu.sem_alloc : memref<!tpu.dma_semaphore, #tpu.memory_space<semaphore_mem>>
      %dma_start3A = arith.constant 0 : i32
      %dma_start3A_110 = tpu.memref_slice %arg14[%arg1, %dma_start3A] : memref<16x16384xf32, #tpu.memory_space<vmem_shared>> -> memref<1x16384xf32, #tpu.memory_space<vmem_shared>>
      %dma_start3A_111 = tpu.memref_squeeze %dma_start3A_110 : memref<1x16384xf32, #tpu.memory_space<vmem_shared>> -> memref<16384xf32, #tpu.memory_space<vmem_shared>>
      %dma_start3A_112 = arith.constant 0 : i32
      %dma_start3A_113 = tpu.memref_slice %arg14[%arg1, %dma_start3A_112] : memref<16x16384xf32, #tpu.memory_space<vmem_shared>> -> memref<1x16384xf32, #tpu.memory_space<vmem_shared>>
      %dma_start3A_114 = tpu.memref_squeeze %dma_start3A_113 : memref<1x16384xf32, #tpu.memory_space<vmem_shared>> -> memref<16384xf32, #tpu.memory_space<vmem_shared>>
      tpu.enqueue_dma source(%arg12 : memref<16384xf32, #tpu.memory_space<vmem>>) target(%dma_start3A_114 : memref<16384xf32, #tpu.memory_space<vmem_shared>>) target_semaphore(%run_scoped3A : memref<!tpu.dma_semaphore, #tpu.memory_space<semaphore_mem>>)
      %dma_wait3A = arith.constant 0 : i32
      %dma_wait3A_115 = tpu.memref_slice %arg14[%arg1, %dma_wait3A] : memref<16x16384xf32, #tpu.memory_space<vmem_shared>> -> memref<1x16384xf32, #tpu.memory_space<vmem_shared>>
      %dma_wait3A_116 = tpu.memref_squeeze %dma_wait3A_115 : memref<1x16384xf32, #tpu.memory_space<vmem_shared>> -> memref<16384xf32, #tpu.memory_space<vmem_shared>>
      %dma_wait3A_117 = arith.constant 0 : i32
      %dma_wait3A_118 = tpu.memref_slice %arg14[%arg1, %dma_wait3A_117] : memref<16x16384xf32, #tpu.memory_space<vmem_shared>> -> memref<1x16384xf32, #tpu.memory_space<vmem_shared>>
      %dma_wait3A_119 = tpu.memref_squeeze %dma_wait3A_118 : memref<1x16384xf32, #tpu.memory_space<vmem_shared>> -> memref<16384xf32, #tpu.memory_space<vmem_shared>>
      tpu.wait_dma2 semaphore(%run_scoped3A : memref<!tpu.dma_semaphore, #tpu.memory_space<semaphore_mem>>) src(%arg12 : memref<16384xf32, #tpu.memory_space<vmem>>) dst(%dma_wait3A_119 : memref<16384xf32, #tpu.memory_space<vmem_shared>>)
      tpu.yield
    }) : () -> ()
    %barrier3A = arith.constant 0 : index
    tpu.barrier barrier_id(%barrier3A)
    %mul3A_96 = arith.constant 1024 : i32
    %mul3A_97 = arith.muli %arg1, %mul3A_96 : i32
    "tpu.region"() ({
      %run_scoped3A = tpu.sem_alloc : memref<!tpu.dma_semaphore, #tpu.memory_space<semaphore_mem>>
      %dma_start3A = arith.constant 0 : i32
      %dma_start3A_110 = tpu.memref_slice %arg14[%dma_start3A, %mul3A_97] : memref<16x16384xf32, #tpu.memory_space<vmem_shared>> -> memref<4x1024xf32, #tpu.memory_space<vmem_shared>>
      %dma_start3A_111 = arith.constant 0 : i32
      %dma_start3A_112 = tpu.memref_slice %arg14[%dma_start3A_111, %mul3A_97] : memref<16x16384xf32, #tpu.memory_space<vmem_shared>> -> memref<4x1024xf32, #tpu.memory_space<vmem_shared>>
      tpu.enqueue_dma source(%dma_start3A_112 : memref<4x1024xf32, #tpu.memory_space<vmem_shared>>) target(%arg13 : memref<4x1024xf32, #tpu.memory_space<vmem>>) target_semaphore(%run_scoped3A : memref<!tpu.dma_semaphore, #tpu.memory_space<semaphore_mem>>)
      %dma_wait3A = arith.constant 0 : i32
      %dma_wait3A_113 = tpu.memref_slice %arg14[%dma_wait3A, %mul3A_97] : memref<16x16384xf32, #tpu.memory_space<vmem_shared>> -> memref<4x1024xf32, #tpu.memory_space<vmem_shared>>
      %dma_wait3A_114 = arith.constant 0 : i32
      %dma_wait3A_115 = tpu.memref_slice %arg14[%dma_wait3A_114, %mul3A_97] : memref<16x16384xf32, #tpu.memory_space<vmem_shared>> -> memref<4x1024xf32, #tpu.memory_space<vmem_shared>>
      tpu.wait_dma2 semaphore(%run_scoped3A : memref<!tpu.dma_semaphore, #tpu.memory_space<semaphore_mem>>) src(%dma_wait3A_115 : memref<4x1024xf32, #tpu.memory_space<vmem_shared>>) dst(%arg13 : memref<4x1024xf32, #tpu.memory_space<vmem>>)
      tpu.yield
    }) : () -> ()
    %parallel_loop3A_98 = arith.constant 0 : i32
    %parallel_loop3A_99 = arith.constant 1024 : i32
    %parallel_loop3A_100 = arith.constant 16 : i32
    scf.for %parallel_loop3A_110 = %parallel_loop3A_98 to %parallel_loop3A_99 step %parallel_loop3A_100  : i32 {
      %parallel_loop3A_111 = arith.constant 0 : i32
      %parallel_loop3A_112 = arith.index_cast %parallel_loop3A_111 : i32 to index
      %parallel_loop3A_113 = arith.index_cast %parallel_loop3A_110 : i32 to index
      %parallel_loop3A_114 = tpu.vector_load %arg13[%parallel_loop3A_112, %parallel_loop3A_113] {strides = array<i32>} : memref<4x1024xf32, #tpu.memory_space<vmem>>, vector<16xf32>,
      %parallel_loop3A_115 = arith.constant 1 : i32
      %parallel_loop3A_116 = arith.index_cast %parallel_loop3A_115 : i32 to index
      %parallel_loop3A_117 = arith.index_cast %parallel_loop3A_110 : i32 to index
      %parallel_loop3A_118 = tpu.vector_load %arg13[%parallel_loop3A_116, %parallel_loop3A_117] {strides = array<i32>} : memref<4x1024xf32, #tpu.memory_space<vmem>>, vector<16xf32>,
      %parallel_loop3A_119 = arith.addf %parallel_loop3A_114, %parallel_loop3A_118 : vector<16xf32>
      %parallel_loop3A_120 = arith.constant 2 : i32
      %parallel_loop3A_121 = arith.index_cast %parallel_loop3A_120 : i32 to index
      %parallel_loop3A_122 = arith.index_cast %parallel_loop3A_110 : i32 to index
      %parallel_loop3A_123 = tpu.vector_load %arg13[%parallel_loop3A_121, %parallel_loop3A_122] {strides = array<i32>} : memref<4x1024xf32, #tpu.memory_space<vmem>>, vector<16xf32>,
      %parallel_loop3A_124 = arith.addf %parallel_loop3A_119, %parallel_loop3A_123 : vector<16xf32>
      %parallel_loop3A_125 = arith.constant 3 : i32
      %parallel_loop3A_126 = arith.index_cast %parallel_loop3A_125 : i32 to index
      %parallel_loop3A_127 = arith.index_cast %parallel_loop3A_110 : i32 to index
      %parallel_loop3A_128 = tpu.vector_load %arg13[%parallel_loop3A_126, %parallel_loop3A_127] {strides = array<i32>} : memref<4x1024xf32, #tpu.memory_space<vmem>>, vector<16xf32>,
      %parallel_loop3A_129 = arith.addf %parallel_loop3A_124, %parallel_loop3A_128 : vector<16xf32>
      %parallel_loop3A_130 = arith.index_cast %parallel_loop3A_110 : i32 to index
      %parallel_loop3A_131 = tpu.vector_load %arg12[%parallel_loop3A_130] {strides = array<i32>} : memref<16384xf32, #tpu.memory_space<vmem>>, vector<16xf32>,
      tpu.vector_store %arg12[%parallel_loop3A_130], %parallel_loop3A_129 {strides = array<i32>} : memref<16384xf32, #tpu.memory_space<vmem>>, vector<16xf32>,
    } {sc.loop_unroll_factor = 4 : i64, sc.parallel_access}
    "tpu.region"() ({
      %run_scoped3A = tpu.sem_alloc : memref<!tpu.dma_semaphore, #tpu.memory_space<semaphore_mem>>
      %dma_start3A = arith.constant 4 : i32
      %dma_start3A_110 = tpu.memref_slice %arg14[%dma_start3A, %mul3A_97] : memref<16x16384xf32, #tpu.memory_space<vmem_shared>> -> memref<4x1024xf32, #tpu.memory_space<vmem_shared>>
      %dma_start3A_111 = arith.constant 4 : i32
      %dma_start3A_112 = tpu.memref_slice %arg14[%dma_start3A_111, %mul3A_97] : memref<16x16384xf32, #tpu.memory_space<vmem_shared>> -> memref<4x1024xf32, #tpu.memory_space<vmem_shared>>
      tpu.enqueue_dma source(%dma_start3A_112 : memref<4x1024xf32, #tpu.memory_space<vmem_shared>>) target(%arg13 : memref<4x1024xf32, #tpu.memory_space<vmem>>) target_semaphore(%run_scoped3A : memref<!tpu.dma_semaphore, #tpu.memory_space<semaphore_mem>>)
      %dma_wait3A = arith.constant 4 : i32
      %dma_wait3A_113 = tpu.memref_slice %arg14[%dma_wait3A, %mul3A_97] : memref<16x16384xf32, #tpu.memory_space<vmem_shared>> -> memref<4x1024xf32, #tpu.memory_space<vmem_shared>>
      %dma_wait3A_114 = arith.constant 4 : i32
      %dma_wait3A_115 = tpu.memref_slice %arg14[%dma_wait3A_114, %mul3A_97] : memref<16x16384xf32, #tpu.memory_space<vmem_shared>> -> memref<4x1024xf32, #tpu.memory_space<vmem_shared>>
      tpu.wait_dma2 semaphore(%run_scoped3A : memref<!tpu.dma_semaphore, #tpu.memory_space<semaphore_mem>>) src(%dma_wait3A_115 : memref<4x1024xf32, #tpu.memory_space<vmem_shared>>) dst(%arg13 : memref<4x1024xf32, #tpu.memory_space<vmem>>)
      tpu.yield
    }) : () -> ()
    %parallel_loop3A_101 = arith.constant 0 : i32
    %parallel_loop3A_102 = arith.constant 1024 : i32
    %parallel_loop3A_103 = arith.constant 16 : i32
    scf.for %parallel_loop3A_110 = %parallel_loop3A_101 to %parallel_loop3A_102 step %parallel_loop3A_103  : i32 {
      %parallel_loop3A_111 = arith.constant 0 : i32
      %parallel_loop3A_112 = arith.index_cast %parallel_loop3A_111 : i32 to index
      %parallel_loop3A_113 = arith.index_cast %parallel_loop3A_110 : i32 to index
      %parallel_loop3A_114 = tpu.vector_load %arg13[%parallel_loop3A_112, %parallel_loop3A_113] {strides = array<i32>} : memref<4x1024xf32, #tpu.memory_space<vmem>>, vector<16xf32>,
      %parallel_loop3A_115 = arith.constant 1 : i32
      %parallel_loop3A_116 = arith.index_cast %parallel_loop3A_115 : i32 to index
      %parallel_loop3A_117 = arith.index_cast %parallel_loop3A_110 : i32 to index
      %parallel_loop3A_118 = tpu.vector_load %arg13[%parallel_loop3A_116, %parallel_loop3A_117] {strides = array<i32>} : memref<4x1024xf32, #tpu.memory_space<vmem>>, vector<16xf32>,
      %parallel_loop3A_119 = arith.addf %parallel_loop3A_114, %parallel_loop3A_118 : vector<16xf32>
      %parallel_loop3A_120 = arith.constant 2 : i32
      %parallel_loop3A_121 = arith.index_cast %parallel_loop3A_120 : i32 to index
      %parallel_loop3A_122 = arith.index_cast %parallel_loop3A_110 : i32 to index
      %parallel_loop3A_123 = tpu.vector_load %arg13[%parallel_loop3A_121, %parallel_loop3A_122] {strides = array<i32>} : memref<4x1024xf32, #tpu.memory_space<vmem>>, vector<16xf32>,
      %parallel_loop3A_124 = arith.addf %parallel_loop3A_119, %parallel_loop3A_123 : vector<16xf32>
      %parallel_loop3A_125 = arith.constant 3 : i32
      %parallel_loop3A_126 = arith.index_cast %parallel_loop3A_125 : i32 to index
      %parallel_loop3A_127 = arith.index_cast %parallel_loop3A_110 : i32 to index
      %parallel_loop3A_128 = tpu.vector_load %arg13[%parallel_loop3A_126, %parallel_loop3A_127] {strides = array<i32>} : memref<4x1024xf32, #tpu.memory_space<vmem>>, vector<16xf32>,
      %parallel_loop3A_129 = arith.addf %parallel_loop3A_124, %parallel_loop3A_128 : vector<16xf32>
      %parallel_loop3A_130 = arith.index_cast %parallel_loop3A_110 : i32 to index
      %parallel_loop3A_131 = tpu.vector_load %arg12[%parallel_loop3A_130] {strides = array<i32>} : memref<16384xf32, #tpu.memory_space<vmem>>, vector<16xf32>,
      %parallel_loop3A_132 = arith.addf %parallel_loop3A_129, %parallel_loop3A_131 : vector<16xf32>
      %parallel_loop3A_133 = arith.index_cast %parallel_loop3A_110 : i32 to index
      %parallel_loop3A_134 = tpu.vector_load %arg12[%parallel_loop3A_133] {strides = array<i32>} : memref<16384xf32, #tpu.memory_space<vmem>>, vector<16xf32>,
      tpu.vector_store %arg12[%parallel_loop3A_133], %parallel_loop3A_132 {strides = array<i32>} : memref<16384xf32, #tpu.memory_space<vmem>>, vector<16xf32>,
    } {sc.loop_unroll_factor = 4 : i64, sc.parallel_access}
    "tpu.region"() ({
      %run_scoped3A = tpu.sem_alloc : memref<!tpu.dma_semaphore, #tpu.memory_space<semaphore_mem>>
      %dma_start3A = arith.constant 8 : i32
      %dma_start3A_110 = tpu.memref_slice %arg14[%dma_start3A, %mul3A_97] : memref<16x16384xf32, #tpu.memory_space<vmem_shared>> -> memref<4x1024xf32, #tpu.memory_space<vmem_shared>>
      %dma_start3A_111 = arith.constant 8 : i32
      %dma_start3A_112 = tpu.memref_slice %arg14[%dma_start3A_111, %mul3A_97] : memref<16x16384xf32, #tpu.memory_space<vmem_shared>> -> memref<4x1024xf32, #tpu.memory_space<vmem_shared>>
      tpu.enqueue_dma source(%dma_start3A_112 : memref<4x1024xf32, #tpu.memory_space<vmem_shared>>) target(%arg13 : memref<4x1024xf32, #tpu.memory_space<vmem>>) target_semaphore(%run_scoped3A : memref<!tpu.dma_semaphore, #tpu.memory_space<semaphore_mem>>)
      %dma_wait3A = arith.constant 8 : i32
      %dma_wait3A_113 = tpu.memref_slice %arg14[%dma_wait3A, %mul3A_97] : memref<16x16384xf32, #tpu.memory_space<vmem_shared>> -> memref<4x1024xf32, #tpu.memory_space<vmem_shared>>
      %dma_wait3A_114 = arith.constant 8 : i32
      %dma_wait3A_115 = tpu.memref_slice %arg14[%dma_wait3A_114, %mul3A_97] : memref<16x16384xf32, #tpu.memory_space<vmem_shared>> -> memref<4x1024xf32, #tpu.memory_space<vmem_shared>>
      tpu.wait_dma2 semaphore(%run_scoped3A : memref<!tpu.dma_semaphore, #tpu.memory_space<semaphore_mem>>) src(%dma_wait3A_115 : memref<4x1024xf32, #tpu.memory_space<vmem_shared>>) dst(%arg13 : memref<4x1024xf32, #tpu.memory_space<vmem>>)
      tpu.yield
    }) : () -> ()
    %parallel_loop3A_104 = arith.constant 0 : i32
    %parallel_loop3A_105 = arith.constant 1024 : i32
    %parallel_loop3A_106 = arith.constant 16 : i32
    scf.for %parallel_loop3A_110 = %parallel_loop3A_104 to %parallel_loop3A_105 step %parallel_loop3A_106  : i32 {
      %parallel_loop3A_111 = arith.constant 0 : i32
      %parallel_loop3A_112 = arith.index_cast %parallel_loop3A_111 : i32 to index
      %parallel_loop3A_113 = arith.index_cast %parallel_loop3A_110 : i32 to index
      %parallel_loop3A_114 = tpu.vector_load %arg13[%parallel_loop3A_112, %parallel_loop3A_113] {strides = array<i32>} : memref<4x1024xf32, #tpu.memory_space<vmem>>, vector<16xf32>,
      %parallel_loop3A_115 = arith.constant 1 : i32
      %parallel_loop3A_116 = arith.index_cast %parallel_loop3A_115 : i32 to index
      %parallel_loop3A_117 = arith.index_cast %parallel_loop3A_110 : i32 to index
      %parallel_loop3A_118 = tpu.vector_load %arg13[%parallel_loop3A_116, %parallel_loop3A_117] {strides = array<i32>} : memref<4x1024xf32, #tpu.memory_space<vmem>>, vector<16xf32>,
      %parallel_loop3A_119 = arith.addf %parallel_loop3A_114, %parallel_loop3A_118 : vector<16xf32>
      %parallel_loop3A_120 = arith.constant 2 : i32
      %parallel_loop3A_121 = arith.index_cast %parallel_loop3A_120 : i32 to index
      %parallel_loop3A_122 = arith.index_cast %parallel_loop3A_110 : i32 to index
      %parallel_loop3A_123 = tpu.vector_load %arg13[%parallel_loop3A_121, %parallel_loop3A_122] {strides = array<i32>} : memref<4x1024xf32, #tpu.memory_space<vmem>>, vector<16xf32>,
      %parallel_loop3A_124 = arith.addf %parallel_loop3A_119, %parallel_loop3A_123 : vector<16xf32>
      %parallel_loop3A_125 = arith.constant 3 : i32
      %parallel_loop3A_126 = arith.index_cast %parallel_loop3A_125 : i32 to index
      %parallel_loop3A_127 = arith.index_cast %parallel_loop3A_110 : i32 to index
      %parallel_loop3A_128 = tpu.vector_load %arg13[%parallel_loop3A_126, %parallel_loop3A_127] {strides = array<i32>} : memref<4x1024xf32, #tpu.memory_space<vmem>>, vector<16xf32>,
      %parallel_loop3A_129 = arith.addf %parallel_loop3A_124, %parallel_loop3A_128 : vector<16xf32>
      %parallel_loop3A_130 = arith.index_cast %parallel_loop3A_110 : i32 to index
      %parallel_loop3A_131 = tpu.vector_load %arg12[%parallel_loop3A_130] {strides = array<i32>} : memref<16384xf32, #tpu.memory_space<vmem>>, vector<16xf32>,
      %parallel_loop3A_132 = arith.addf %parallel_loop3A_129, %parallel_loop3A_131 : vector<16xf32>
      %parallel_loop3A_133 = arith.index_cast %parallel_loop3A_110 : i32 to index
      %parallel_loop3A_134 = tpu.vector_load %arg12[%parallel_loop3A_133] {strides = array<i32>} : memref<16384xf32, #tpu.memory_space<vmem>>, vector<16xf32>,
      tpu.vector_store %arg12[%parallel_loop3A_133], %parallel_loop3A_132 {strides = array<i32>} : memref<16384xf32, #tpu.memory_space<vmem>>, vector<16xf32>,
    } {sc.loop_unroll_factor = 4 : i64, sc.parallel_access}
    "tpu.region"() ({
      %run_scoped3A = tpu.sem_alloc : memref<!tpu.dma_semaphore, #tpu.memory_space<semaphore_mem>>
      %dma_start3A = arith.constant 12 : i32
      %dma_start3A_110 = tpu.memref_slice %arg14[%dma_start3A, %mul3A_97] : memref<16x16384xf32, #tpu.memory_space<vmem_shared>> -> memref<4x1024xf32, #tpu.memory_space<vmem_shared>>
      %dma_start3A_111 = arith.constant 12 : i32
      %dma_start3A_112 = tpu.memref_slice %arg14[%dma_start3A_111, %mul3A_97] : memref<16x16384xf32, #tpu.memory_space<vmem_shared>> -> memref<4x1024xf32, #tpu.memory_space<vmem_shared>>
      tpu.enqueue_dma source(%dma_start3A_112 : memref<4x1024xf32, #tpu.memory_space<vmem_shared>>) target(%arg13 : memref<4x1024xf32, #tpu.memory_space<vmem>>) target_semaphore(%run_scoped3A : memref<!tpu.dma_semaphore, #tpu.memory_space<semaphore_mem>>)
      %dma_wait3A = arith.constant 12 : i32
      %dma_wait3A_113 = tpu.memref_slice %arg14[%dma_wait3A, %mul3A_97] : memref<16x16384xf32, #tpu.memory_space<vmem_shared>> -> memref<4x1024xf32, #tpu.memory_space<vmem_shared>>
      %dma_wait3A_114 = arith.constant 12 : i32
      %dma_wait3A_115 = tpu.memref_slice %arg14[%dma_wait3A_114, %mul3A_97] : memref<16x16384xf32, #tpu.memory_space<vmem_shared>> -> memref<4x1024xf32, #tpu.memory_space<vmem_shared>>
      tpu.wait_dma2 semaphore(%run_scoped3A : memref<!tpu.dma_semaphore, #tpu.memory_space<semaphore_mem>>) src(%dma_wait3A_115 : memref<4x1024xf32, #tpu.memory_space<vmem_shared>>) dst(%arg13 : memref<4x1024xf32, #tpu.memory_space<vmem>>)
      tpu.yield
    }) : () -> ()
    %parallel_loop3A_107 = arith.constant 0 : i32
    %parallel_loop3A_108 = arith.constant 1024 : i32
    %parallel_loop3A_109 = arith.constant 16 : i32
    scf.for %parallel_loop3A_110 = %parallel_loop3A_107 to %parallel_loop3A_108 step %parallel_loop3A_109  : i32 {
      %parallel_loop3A_111 = arith.constant 0 : i32
      %parallel_loop3A_112 = arith.index_cast %parallel_loop3A_111 : i32 to index
      %parallel_loop3A_113 = arith.index_cast %parallel_loop3A_110 : i32 to index
      %parallel_loop3A_114 = tpu.vector_load %arg13[%parallel_loop3A_112, %parallel_loop3A_113] {strides = array<i32>} : memref<4x1024xf32, #tpu.memory_space<vmem>>, vector<16xf32>,
      %parallel_loop3A_115 = arith.constant 1 : i32
      %parallel_loop3A_116 = arith.index_cast %parallel_loop3A_115 : i32 to index
      %parallel_loop3A_117 = arith.index_cast %parallel_loop3A_110 : i32 to index
      %parallel_loop3A_118 = tpu.vector_load %arg13[%parallel_loop3A_116, %parallel_loop3A_117] {strides = array<i32>} : memref<4x1024xf32, #tpu.memory_space<vmem>>, vector<16xf32>,
      %parallel_loop3A_119 = arith.addf %parallel_loop3A_114, %parallel_loop3A_118 : vector<16xf32>
      %parallel_loop3A_120 = arith.constant 2 : i32
      %parallel_loop3A_121 = arith.index_cast %parallel_loop3A_120 : i32 to index
      %parallel_loop3A_122 = arith.index_cast %parallel_loop3A_110 : i32 to index
      %parallel_loop3A_123 = tpu.vector_load %arg13[%parallel_loop3A_121, %parallel_loop3A_122] {strides = array<i32>} : memref<4x1024xf32, #tpu.memory_space<vmem>>, vector<16xf32>,
      %parallel_loop3A_124 = arith.addf %parallel_loop3A_119, %parallel_loop3A_123 : vector<16xf32>
      %parallel_loop3A_125 = arith.constant 3 : i32
      %parallel_loop3A_126 = arith.index_cast %parallel_loop3A_125 : i32 to index
      %parallel_loop3A_127 = arith.index_cast %parallel_loop3A_110 : i32 to index
      %parallel_loop3A_128 = tpu.vector_load %arg13[%parallel_loop3A_126, %parallel_loop3A_127] {strides = array<i32>} : memref<4x1024xf32, #tpu.memory_space<vmem>>, vector<16xf32>,
      %parallel_loop3A_129 = arith.addf %parallel_loop3A_124, %parallel_loop3A_128 : vector<16xf32>
      %parallel_loop3A_130 = arith.index_cast %parallel_loop3A_110 : i32 to index
      %parallel_loop3A_131 = tpu.vector_load %arg12[%parallel_loop3A_130] {strides = array<i32>} : memref<16384xf32, #tpu.memory_space<vmem>>, vector<16xf32>,
      %parallel_loop3A_132 = arith.addf %parallel_loop3A_129, %parallel_loop3A_131 : vector<16xf32>
      %parallel_loop3A_133 = arith.index_cast %parallel_loop3A_110 : i32 to index
      %parallel_loop3A_134 = tpu.vector_load %arg12[%parallel_loop3A_133] {strides = array<i32>} : memref<16384xf32, #tpu.memory_space<vmem>>, vector<16xf32>,
      tpu.vector_store %arg12[%parallel_loop3A_133], %parallel_loop3A_132 {strides = array<i32>} : memref<16384xf32, #tpu.memory_space<vmem>>, vector<16xf32>,
    } {sc.loop_unroll_factor = 4 : i64, sc.parallel_access}
    "tpu.region"() ({
      %run_scoped3A = tpu.sem_alloc : memref<!tpu.dma_semaphore, #tpu.memory_space<semaphore_mem>>
      %dma_start3A = arith.constant 0 : i32
      %dma_start3A_110 = tpu.memref_slice %arg12[%dma_start3A] : memref<16384xf32, #tpu.memory_space<vmem>> -> memref<1024xf32, #tpu.memory_space<vmem>>
      %dma_start3A_111 = tpu.memref_slice %arg6[%arg0, %mul3A_97] : memref<2x16384xf32, #tpu.memory_space<hbm>> -> memref<1x1024xf32, #tpu.memory_space<hbm>>
      %dma_start3A_112 = tpu.memref_squeeze %dma_start3A_111 : memref<1x1024xf32, #tpu.memory_space<hbm>> -> memref<1024xf32, #tpu.memory_space<hbm>>
      %dma_start3A_113 = tpu.memref_slice %arg6[%arg0, %mul3A_97] : memref<2x16384xf32, #tpu.memory_space<hbm>> -> memref<1x1024xf32, #tpu.memory_space<hbm>>
      %dma_start3A_114 = tpu.memref_squeeze %dma_start3A_113 : memref<1x1024xf32, #tpu.memory_space<hbm>> -> memref<1024xf32, #tpu.memory_space<hbm>>
      %dma_start3A_115 = arith.constant 0 : i32
      %dma_start3A_116 = tpu.memref_slice %arg12[%dma_start3A_115] : memref<16384xf32, #tpu.memory_space<vmem>> -> memref<1024xf32, #tpu.memory_space<vmem>>
      tpu.enqueue_dma source(%dma_start3A_116 : memref<1024xf32, #tpu.memory_space<vmem>>) target(%dma_start3A_114 : memref<1024xf32, #tpu.memory_space<hbm>>) target_semaphore(%run_scoped3A : memref<!tpu.dma_semaphore, #tpu.memory_space<semaphore_mem>>)
      %dma_wait3A = arith.constant 0 : i32
      %dma_wait3A_117 = tpu.memref_slice %arg12[%dma_wait3A] : memref<16384xf32, #tpu.memory_space<vmem>> -> memref<1024xf32, #tpu.memory_space<vmem>>
      %dma_wait3A_118 = tpu.memref_slice %arg6[%arg0, %mul3A_97] : memref<2x16384xf32, #tpu.memory_space<hbm>> -> memref<1x1024xf32, #tpu.memory_space<hbm>>
      %dma_wait3A_119 = tpu.memref_squeeze %dma_wait3A_118 : memref<1x1024xf32, #tpu.memory_space<hbm>> -> memref<1024xf32, #tpu.memory_space<hbm>>
      %dma_wait3A_120 = tpu.memref_slice %arg6[%arg0, %mul3A_97] : memref<2x16384xf32, #tpu.memory_space<hbm>> -> memref<1x1024xf32, #tpu.memory_space<hbm>>
      %dma_wait3A_121 = tpu.memref_squeeze %dma_wait3A_120 : memref<1x1024xf32, #tpu.memory_space<hbm>> -> memref<1024xf32, #tpu.memory_space<hbm>>
      %dma_wait3A_122 = arith.constant 0 : i32
      %dma_wait3A_123 = tpu.memref_slice %arg12[%dma_wait3A_122] : memref<16384xf32, #tpu.memory_space<vmem>> -> memref<1024xf32, #tpu.memory_space<vmem>>
      tpu.wait_dma2 semaphore(%run_scoped3A : memref<!tpu.dma_semaphore, #tpu.memory_space<semaphore_mem>>) src(%dma_wait3A_123 : memref<1024xf32, #tpu.memory_space<vmem>>) dst(%dma_wait3A_121 : memref<1024xf32, #tpu.memory_space<hbm>>)
      tpu.yield
    }) : () -> ()
    return
  }
}

</mosaic_0001>

<sc_bundles>
// kernel: kernel.3.cloned.1.call-start
scs
__scs_entry_jumppad:
0x0: {  	(pc) =	sbr.rel $0x88, $3  }
0x1: {  	(tag) =	ssettag $0x0;
	lr =	simm.s32 $0x1  }
0x2: {  	[smem:$0x3F9D] =	sst lr;
	_ =	strace $0xD0000000  }
0x3: {  	_ = 	snop  }
0x4: {  	_ = 	snop  }
0x5: {  	_ = 	snop  }
0x6: {  	_ = 	snop  }
0x7: {  	_ = 	snop  }
__scs_overlays_trampoline_lowered:
0x8: {  	[smem:$0x3FAC] =	sst s0  }
0x9: {  	[smem:$0x3FAD] =	sst s1  }
0xa: {  	[smem:$0x3FAE] =	sst s2  }
0xb: {  	[smem:$0x3FAF] =	sst s3  }
0xc: {  	[smem:$0x3FB0] =	sst s4  }
0xd: {  	[smem:$0x3FB1] =	sst s5  }
0xe: {  	[smem:$0x3FB2] =	sst s6  }
0xf: {  	[smem:$0x3FB3] =	sst s7  }
0x10: {  	[smem:$0x3FB4] =	sst s8  }
0x11: {  	[smem:$0x3FB5] =	sst s9;
	s0 =	simm.s32 @!p0 $0x0  }
0x12: {  	s1 =	sld [smem:$0x3F9B];
	s0 =	simm.s32 @p0 $0x1  }
0x13: {  	[smem:$0x3FB6] =	sst s0;
	s0 =	simm.s32 @!p1 $0x0  }
0x14: {  	s2 =	sld [smem:$0x3F9A];
	s0 =	simm.s32 @p1 $0x1  }
0x15: {  	[smem:$0x3FB7] =	sst s0;
	s0 =	simm.s32 @!p2 $0x0  }
0x16: {  	s3 =	sld [smem:$0x3FDB];
	s0 =	simm.s32 @p2 $0x1  }
0x17: {  	s4 =	simm.s32 $0x1BF5;
	[smem:$0x3FB9] =	sst s0  }
0x18: {  	s0 =	sld [smem:$0x3F9C];
	_ =	swait.ge [sflag:s4], $0x0  }
0x19: {  	s7 =	sld [smem:$0x3F9D]  }
0x1a: {  	s8 =	sadd.s32 $0xFFFFE003, lr  }
0x1b: {  	s9 =	sadd.s32 $0xFFFFFEF7, lr;
	s5 =	simm.s32 $0xFFFFFFFF;
	p2 =	slt.u32 s8, $0xFFFFF086  }
0x1c: {  	p1 =	slt.u32 s9, $0xF7A;
	s5 =	simm.s32 @!p2 $0x0  }
0x1d: {  	s5 =	simm.s32 @p1 $0x1;
	p0 =	seq.s32 s7, s2  }
0x1e: {  	s7 =	smul.u32 @!p0 $0xF7A, s2;
	p2 =	seq.s32 @!p0 s5, $0x0  }
0x1f: {  	s9 =	smul.u32 $0xF7A, s1;
	s8 =	simm.s32 @!p0 $0x1BF5;
	p2 =	por !p2, p0  }
0x20: {  	[sflag:s8] =	ssyncset.s32 @!p0 $0xFFFFF086;
	s6 =	sadd.s32 @!p0 s3, s7;
	s7 =	simm.s32 @!p0 $0x108  }
0x21: {  	s3 =	sadd.s32 s3, s9;
	s6 =	sadd.s32 @!p0 $0x88, s6;
	s7 =	simm.s32 @p2 $0x1082  }
0x22: {  	[simem:s7], [sflag:s8] =	dma.local @!p0 [hbm:s6], $0xF7A  }
0x23: {  	s9 =	sor.u32 $0xD0000000, s2;
	s6 =	simm.s32 $0x108;
	_ =	swait.ge @!p0 [sflag:s8], $0x0  }
0x24: {  	s3 =	sadd.s32 $0x88, s3;
	s6 =	simm.s32 @!p1 $0x1082;
	[sflag:s4] =	ssyncset.s32 $0xFFFFF086  }
0x25: {  	[simem:s6], [sflag:s4] =	dma.local [hbm:s3], $0xF7A  }
0x26: {  	[smem:$0x3F9D] =	sst s1;
	(tag) =	ssettag s2;
	_ =	strace s9  }
0x27: {  	s1 =	sld [smem:$0x3FAD]  }
0x28: {  	s2 =	sld [smem:$0x3FAE]  }
0x29: {  	s4 =	sld [smem:$0x3FB0]  }
0x2a: {  	p0 =	seq.s32 s5, $0x0;
	s5 =	sld [smem:$0x3FB1]  }
0x2b: {  	s6 =	sld [smem:$0x3FB2]  }
0x2c: {  	s7 =	sld [smem:$0x3FB3]  }
0x2d: {  	s3 =	simm.s32 $0x108;
	s8 =	sld [smem:$0x3FB4]  }
0x2e: {  	s3 =	simm.s32 @!p0 $0x1082;
	s9 =	sld [smem:$0x3FB5]  }
0x2f: {  	lr =	sadd.s32 s0, s3;
	s0 =	sld [smem:$0x3FAC]  }
0x30: {  	s3 =	sld [smem:$0x3FAF]  }
0x31: {  	[smem:$0x3FB8] =	sst s10  }
0x32: {  	s10 =	sld [smem:$0x3FB6];
	_ =	sdelay $0x3  }
0x33: {  	p0 =	seq.s32 s10, $0x1;
	s10 =	sld [smem:$0x3FB8];
	_ =	sdelay $0x3  }
0x34: {  	[smem:$0x3FB8] =	sst s10  }
0x35: {  	s10 =	sld [smem:$0x3FB7];
	_ =	sdelay $0x3  }
0x36: {  	p1 =	seq.s32 s10, $0x1;
	s10 =	sld [smem:$0x3FB8];
	_ =	sdelay $0x3  }
0x37: {  	[smem:$0x3FB8] =	sst s10  }
0x38: {  	s10 =	sld [smem:$0x3FB9]  }
0x39: {  	_ = 	snop;
	(pc) =	sbr.ind lr, $3  }
0x3a: {  	_ = 	snop  }
0x3b: {  	_ = 	snop  }
0x3c: {  	p2 =	seq.s32 s10, $0x1;
	s10 =	sld [smem:$0x3FB8]  }
0x3d: {  	_ =	shalt  }
0x3e: {  	_ =	shalt  }
0x3f: {  	_ =	shalt  }
0x40: {  	_ =	shalt  }
0x41: {  	_ =	shalt  }
0x42: {  	_ =	shalt  }
0x43: {  	_ =	shalt  }
0x44: {  	_ =	shalt  }
0x45: {  	_ =	shalt  }
0x46: {  	_ =	shalt  }
0x47: {  	_ =	shalt  }
0x48: {  	_ =	shalt  }
0x49: {  	_ =	shalt  }
0x4a: {  	_ =	shalt  }
0x4b: {  	_ =	shalt  }
0x4c: {  	_ =	shalt  }
0x4d: {  	_ =	shalt  }
0x4e: {  	_ =	shalt  }
0x4f: {  	_ =	shalt  }
0x50: {  	_ =	shalt  }
0x51: {  	_ =	shalt  }
0x52: {  	_ =	shalt  }
0x53: {  	_ =	shalt  }
0x54: {  	_ =	shalt  }
0x55: {  	_ =	shalt  }
0x56: {  	_ =	shalt  }
0x57: {  	_ =	shalt  }
0x58: {  	_ =	shalt  }
0x59: {  	_ =	shalt  }
0x5a: {  	_ =	shalt  }
0x5b: {  	_ =	shalt  }
0x5c: {  	_ =	shalt  }
0x5d: {  	_ =	shalt  }
0x5e: {  	_ =	shalt  }
0x5f: {  	_ =	shalt  }
0x60: {  	_ =	shalt  }
0x61: {  	_ =	shalt  }
0x62: {  	_ =	shalt  }
0x63: {  	_ =	shalt  }
0x64: {  	_ =	shalt  }
0x65: {  	_ =	shalt  }
0x66: {  	_ =	shalt  }
0x67: {  	_ =	shalt  }
0x68: {  	_ =	shalt  }
0x69: {  	_ =	shalt  }
0x6a: {  	_ =	shalt  }
0x6b: {  	_ =	shalt  }
0x6c: {  	_ =	shalt  }
0x6d: {  	_ =	shalt  }
0x6e: {  	_ =	shalt  }
0x6f: {  	_ =	shalt  }
0x70: {  	_ =	shalt  }
0x71: {  	_ =	shalt  }
0x72: {  	_ =	shalt  }
0x73: {  	_ =	shalt  }
0x74: {  	_ =	shalt  }
0x75: {  	_ =	shalt  }
0x76: {  	_ =	shalt  }
0x77: {  	_ =	shalt  }
0x78: {  	_ =	shalt  }
0x79: {  	_ =	shalt  }
0x7a: {  	_ =	shalt  }
0x7b: {  	_ =	shalt  }
0x7c: {  	_ =	shalt  }
0x7d: {  	_ =	shalt  }
0x7e: {  	_ =	shalt  }
0x7f: {  	_ =	shalt  }
0x80: {  	_ =	shalt  }
0x81: {  	_ =	shalt  }
0x82: {  	_ =	shalt  }
0x83: {  	_ =	shalt  }
0x84: {  	_ =	shalt  }
0x85: {  	_ =	shalt  }
0x86: {  	_ =	shalt  }
0x87: {  	_ =	shalt  }
.Lfunc_end0:
.L_simem_size_0:
called_computation_lowered:
.L_overlay_start_0:
0x88: {  	s2 =	sld [smem:$0x3FD9]  }
0x89: {  	s3 =	sld [smem:$0x3FFE];
	_ =	sdelay $0x1  }
0x8a: {  	s1 =	srdreg.scid  }
0x8b: {  	s0 =	sand.u32 $0x1, s1  }
0x8c: {  	s17 =	sshll.u32 s0, $0xA;
	s2 =	sadd.s32 s3, s2  }
0x8d: {  	s2 =	sadd.s32 s2, s17  }
0x8e: {  	[smem:$0x3FC4] =	sst s2  }
0x8f: {  	_ = 	snop  }
0x90: {  	s2 =	sld [smem:$0x3FC9]  }
0x91: {  	s18 =	sld [smem:$0x3FC8]  }
0x92: {  	s4 =	sld [smem:$0x3FC7]  }
0x93: {  	s5 =	sld [smem:$0x3FC6];
	(tm) =	ssettm $0x1  }
0x94: {  	s6 =	sld [smem:$0x3FFB];
	_ =	sdelay $0x3  }
0x95: {  	_ =	strace s6  }
0x96: {  	s6 =	sld [smem:$0x3FFC];
	_ =	sdelay $0x3  }
0x97: {  	_ =	strace s6  }
0x98: {  	s6 =	sld [smem:$0x3FFD];
	_ =	sdelay $0x3  }
0x99: {  	_ =	strace s6  }
0x9a: {  	_ =	strace $0x8FFFFFFF  }
0x9b: {  	s19 =	sld [smem:$0x3FDB];
	_ =	sdelay $0x1  }
0x9c: {  	s7 =	simm.s32 $_scs_section_size  }
0x9d: {  	s8 =	simm.s32 $_size__tile_overlayer_lowered;
	s9 =	simm.s32 $_tile_overlayer_lowered  }
0x9e: {  	s22 =	simm.s32 $0x1BFF;
	s21 =	sshll.u32 s9, $0x1;
	s6 =	sadd.s32 s7, s19  }
0x9f: {  	s10 =	simm.s32 $0x0;
	s20 =	sshll.u32 s8, $0x1;
	s8 =	sadd.s32 s21, s6  }
0xa0: {  	[timem:s10], [sflag:s22] =	dma.local [hbm:s8], s20  }
0xa1: {  	_ =	swait.ge [sflag:s22], s20  }
0xa2: {  	s7 =	ssub.s32 $0x0, s20;
	[sflag:s22] =	ssyncset.done $0x0  }
0xa3: {  	[sflag:s22] =	ssyncadd.s32 s7;
	_ =	sdelay $0x1  }
0xa4: {  	s23 =	simm.s32 $0x1B8B  }
0xa5: {  	_ =	swait.ge [sflag:s23], $0x1  }
0xa6: {  	[sflag:s23] =	ssyncset.done $0x0  }
0xa7: {  	s25 =	simm.s32 $0x1B8E;
	s24 =	sld [smem:$0x3FFE];
	[sflag:s23] =	ssyncadd.s32 $0xFFFFFFFF  }
0xa8: {  	s26 =	simm.s32 $execute0_lowered;
	[smem:$0x3FD2] =	sst s25  }
0xa9: {  	s8 =	sshll.u32 s26, $0x1;
	_ =	strace $0x80000046;
	[dreg:$0x1] =	wrdreg $0xFFFFFFFF  }
0xaa: {  	s28 =	simm.s32 $_size_execute0_lowered;
	s6 =	sadd.s32 s6, s8;
	[dreg:$0x0] =	wrdreg $0x0  }
0xab: {  	s8 =	sshll.u32 s28, $0x1;
	[dreg:$0x2] =	wrdreg s6  }
0xac: {  	[dreg:$0x3] =	wrdreg s8  }
0xad: {  	[dreg:$0x4] =	wrdreg $0xC0  }
0xae: {  	_ =	task [dreg:s10], $0x5FFFF  }
0xaf: {  	[dreg:$0x1] =	wrdreg $0xFFFFFFFF  }
0xb0: {  	[dreg:$0x0] =	wrdreg $0x60  }
0xb1: {  	[dreg:$0x2] =	wrdreg s2  }
0xb2: {  	[dreg:$0x3] =	wrdreg s18  }
0xb3: {  	[dreg:$0x4] =	wrdreg s4  }
0xb4: {  	[dreg:$0x5] =	wrdreg s5  }
0xb5: {  	[dreg:$0x6] =	wrdreg s24  }
0xb6: {  	[dreg:$0x7] =	wrdreg $0x1B5000  }
0xb7: {  	[dreg:$0x8] =	wrdreg $0x9  }
0xb8: {  	_ =	task.clear_ibuf [dreg:s10], $0x9FFFF;
	_ =	strace $0x90000046  }
0xb9: {  	s29 =	simm.s32 $0x9;
	_ =	strace $0x80000048  }
0xba: {  	_ =	swait.ge [sflag:s29], $0x1  }
0xbb: {  	[sflag:s29] =	ssyncadd.s32 $0xFFFFFFFF  }
0xbc: {  	_ =	strace $0x90000048  }
0xbd: {  	_ =	sfence  }
0xbe: {  	s30 =	sld [smem:$0x0];
	_ =	sdelay $0x2  }
0xbf: {  	s31 =	sshll.u32 s1, $0xD;
	s1 =	sshrl.u32 s1, $0x2  }
0xc0: {  	s3 =	sand.u32 $0x4000, s31;
	s1 =	sadd.s32 s1, s30  }
0xc1: {  	s0 =	sor.u32 s3, s0;
	s1 =	sshll.u32 s1, $0x11  }
0xc2: {  	s0 =	sor.u32 s1, s0  }
0xc3: {  	s0 =	sadd.s32 $0x8F2B, s0  }
0xc4: {  	[sflag:s0] =	ssyncadd.remote.s32 $0x1  }
0xc5: {  	_ =	sfence.sel $0xFFFF  }
0xc6: {  	[dreg:$0x0] =	wrdreg $0xFFFFFFFF;
	(pc) =	sbr.abs _section_cstart, $3  }
0xc7: {  	[dreg:$0x1] =	wrdreg $0xFFFFFFFF  }
0xc8: {  	_ =	task.clear_ibuf [dreg:s10], $0x2FFFF;
	_ =	strace $0x9FFFFFFF  }
0xc9: {  	(tm) =	ssettm $0x7FFFFFFF  }
tec
execute0_lowered:
.L_overlay_start_1:
0x0: {  	(tag) =	ssettag $0x1  }
0x1: {  	s19 =	rddreg [dreg:$0x1]  }
0x2: {  	s0 =	rddreg [dreg:$0x2]  }
0x3: {  	s1 =	rddreg [dreg:$0x3]  }
0x4: {  	s3 =	rddreg [dreg:$0x4]  }
0x5: {  	s2 =	srdreg.scid;
	s5 =	rddreg [dreg:$0x5]  }
0x6: {  	s12 =	stileid.u32;
	s4 =	simm.s32 $0x0;
	s28 =	simm.s32 $0x1A500  }
0x7: {  	s30 =	simm.s32 $0x0;
	s2 =	sand.u32 $0x1, s2;
	[smem:$0x7FF] =	sst s4  }
0x8: {  	s8 =	sshll.u32 s12, $0x7;
	s26 =	sshll.u32 s12, $0xE;
	s29 =	sshll.u32 s12, $0xD  }
0x9: {  	s15 =	sshll.u32 s12, $0x8;
	s6 =	sshll.u32 s2, $0x4;
	s2 =	ssub.s32 $0x2, s2  }
0xa: {  	_ =	strace $0x80000047;
	s13 =	sand.u32 $0x380, s8;
	s7 =	sor.u32 s12, s6  }
0xb: {  	s9 =	sshrl.u32 s2, $0x1;
	s3 =	sadd.s32 s6, s3;
	s7 =	sshrl.u32 s7, $0x3  }
0xc: {  	s12 =	sadd.s32 s29, s5;
	s2 =	ssub.s32 s2, s9;
	s7 =	smul.u32 $0xC3800, s7  }
0xd: {  	s9 =	sadd.s32 $0x400, s19;
	s14 =	sadd.s32 $0x200, s12;
	s31 =	sadd.s32 s15, s3  }
0xe: {  	s15 =	sadd.s32 $0x20000, s12;
	s16 =	sadd.s32 $0x20200, s12;
	s20 =	sor.u32 s13, s7  }
0xf: {  	s17 =	sadd.s32 $0x400, s31;
	s18 =	smax.u32 s2, $0x1;
	s21 =	sshrl.u32 s20, $0x3  }
0x10: {  	s7 =	sadd.s32 $0x61800, s20;
	s6 =	sadd.s32 $0xC3000, s20;
	s20 =	simm.s32 $0x1  }
0x11: {  	s22 =	sadd.s32 s0, s21;
	s10 =	sshrl.u32 s7, $0x3;
	s11 =	sshrl.u32 s6, $0x3  }
0x12: {  	s24 =	sadd.s32 s1, s21;
	s21 =	simm.s32 $0x80;
	[dreg:$0x7] =	wrdreg s22  }
0x13: {  	s6 =	simm.s32 $0x16500;
	s23 =	sadd.s32 s0, s10;
	[dreg:$0xa] =	wrdreg s24  }
0x14: {  	s0 =	sadd.s32 s0, s11;
	s25 =	sadd.s32 s1, s10;
	[dreg:$0x8] =	wrdreg s23  }
0x15: {  	s1 =	sadd.s32 s1, s11;
	[dreg:$0x9] =	wrdreg s0;
	s0 =	sand.u32 $0x20000, s26  }
0x16: {  	s22 =	simm.s32 $0x400;
	[dreg:$0xb] =	wrdreg s25;
	s0 =	sadd.s32 s0, s5  }
0x17: {  	s24 =	simm.s32 $0x10500;
	[dreg:$0xc] =	wrdreg s1;
	s0 =	sadd.s32 s13, s0  }
0x18: {  	s26 =	simm.s32 $0x200;
	s5 =	simm.s32 $0xC400;
	[dreg:$0xd] =	wrdreg s0  }
.LBB2_1:
0x19: {  	s0 =	rddreg [dreg:$0x0];
	s1 =	simm.s32 $0xC500  }
0x1a: {  	[tilespmem:s1], [sflag:$0x1] =	stream.linear.gather [hbm4b:s0+s4], $0x4000, $0x38;
	[tilespmem:$0x1F500] =	vst v63  }
0x1b: {  	_ =	swait.ge [sflag:s20], $0x4000  }
0x1c: {  	[sflag:s20] =	ssyncset.done $0x0  }
0x1d: {  	s23 =	rddreg [dreg:$0x7];
	[sflag:s20] =	ssyncadd.s32 $0xFFFFC000  }
0x1e: {  	[tilespmem:s4], [sflag:$0x1] =	stream.strided.gather [hbm4b:s23+s21], $0xC300, s22, s21, $0x38;
	[tilespmem:$0x1F500] =	vst v63  }
0x1f: {  	_ =	swait.ge [sflag:s20], $0xC300  }
0x20: {  	[sflag:s20] =	ssyncset.done $0x0  }
0x21: {  	s25 =	simm.s32 $0xC520;
	[sflag:s20] =	ssyncadd.s32 $0xFFFF3D00  }
0x22: {  	v0 =	vld [tilespmem:s25+$0x10]  }
0x23: {  	v1 =	vld [tilespmem:s25+$0xFFFFFFF0]  }
0x24: {  	v2 =	vld [tilespmem:s25+$0x0]  }
0x25: {  	v3 =	vld [tilespmem:s25+$0xFFFFFFE0];
	_ =	sdelay $0x1  }
0x26: {  	vm0 =	vlt.s32 v0, $0xC300  }
0x27: {  	s29 =	simm.s32 $0xC560;
	vm1 =	vlt.s32 v1, $0xC300  }
0x28: {  	v4 =	vld [tilespmem:s29+$0x10];
	vm2 =	vlt.s32 v2, $0xC300  }
0x29: {  	v5 =	vld [tilespmem:s29+$0xFFFFFFF0];
	vm3 =	vlt.s32 v3, $0xC300  }
0x2a: {  	v6 =	vld [tilespmem:s29+$0x0]  }
0x2b: {  	v8 =	vld [tilespmem:s29+$0xFFFFFFE0]  }
0x2c: {  	v7 =	vld.idx.msk [tilespmem:v0+s4+$0x0], vm0  }
0x2d: {  	vm4 =	vlt.s32 v4, $0xC300;
	v9 =	vld.idx.msk [tilespmem:v1+s4+$0x0], vm1  }
0x2e: {  	v10 =	vld.idx.msk [tilespmem:v2+s4+$0x0], vm2  }
0x2f: {  	s31 =	simm.s32 $0xC5A0;
	vm5 =	vlt.s32 v5, $0xC300;
	v11 =	vld.idx.msk [tilespmem:v3+s4+$0x0], vm3  }
0x30: {  	vm6 =	vlt.s32 v6, $0xC300;
	v2 =	vld [tilespmem:s31+$0x10]  }
0x31: {  	vm7 =	vlt.s32 v8, $0xC300;
	v1 =	vld [tilespmem:s31+$0xFFFFFFF0]  }
0x32: {  	vm0 =	vmmov vm0;
	v0 =	vld [tilespmem:s31+$0x0]  }
0x33: {  	s0 =	simm.s32 $0x12520;
	vm1 =	vmmov vm1;
	v4 =	vld.idx.msk [tilespmem:v4+s4+$0x0], vm4;
	v3 =	vnsel vm0, $0x0, v7  }
0x34: {  	vm8 =	vmmov vm3;
	vm2 =	vmmov vm2;
	v7 =	vnsel vm1, $0x0, v9;
	[tilespmem:s0+$0x10] =	vst v3;
	v3 =	vld [tilespmem:s31+$0xFFFFFFE0]  }
0x35: {  	vm3 =	vmmov vm4;
	v5 =	vld.idx.msk [tilespmem:v5+s4+$0x0], vm5;
	vm4 =	vmmov vm7;
	v63 =	vnsel vm8, $0x0, v11;
	[tilespmem:s0+$0xFFFFFFF0] =	vst v7  }
0x36: {  	v6 =	vld.idx.msk [tilespmem:v6+s4+$0x0], vm6;
	vm0 =	vmmov vm5;
	vm1 =	vmmov vm6;
	v7 =	vnsel vm2, $0x0, v10;
	[tilespmem:s0+$0xFFFFFFE0] =	vst v63  }
0x37: {  	s2 =	simm.s32 $0xC5E0;
	s1 =	simm.s32 $0x80;
	vm5 =	vlt.s32 v2, $0xC300;
	vm6 =	vlt.s32 v1, $0xC300;
	vm2 =	vlt.s32 v0, $0xC300;
	[tilespmem:s0+$0x0] =	vst v7;
	v7 =	vld.idx.msk [tilespmem:v8+s4+$0x0], vm7  }
.LBB2_2:
0x38: {  	v8 =	vld [tilespmem:s2+$0x10];
	s1 =	sadd.s32 $0x40, s1  }
0x39: {  	v4 =	vnsel vm3, $0x0, v4;
	s0 =	sadd.s32 $0x40, s0;
	vm3 =	vmmov vm5;
	v9 =	vld [tilespmem:s2+$0xFFFFFFF0];
	p0 =	slt.u32 s1, $0x3FC0;
	vm7 =	vlt.s32 v3, $0xC300;
	v10 =	vmovc v3  }
0x3a: {  	v11 =	vld [tilespmem:s2+$0x0];
	[tilespmem:s0+$0x10] =	vst v4  }
.Ltmp0:
0x3b: {  	v12 =	vnsel vm0, $0x0, v5;
	vm0 =	vmmov vm6;
	v4 =	vld.idx.msk [tilespmem:v2+s4+$0x0], vm5;
	(pc) =	sbr.rel @p0 .LBB2_2-.Ltmp0, $4  }
0x3c: {  	v6 =	vnsel vm1, $0x0, v6;
	vm1 =	vmmov vm2;
	v3 =	vld [tilespmem:s2+$0xFFFFFFE0];
	[tilespmem:s0+$0xFFFFFFF0] =	vst v12  }
0x3d: {  	v7 =	vnsel vm4, $0x0, v7;
	vm4 =	vmmov vm7;
	vm5 =	vlt.s32 v8, $0xC300;
	v5 =	vld.idx.msk [tilespmem:v1+s4+$0x0], vm6;
	[tilespmem:s0+$0x0] =	vst v6;
	v2 =	vmovc v8  }
0x3e: {  	vm6 =	vlt.s32 v9, $0xC300;
	v6 =	vld.idx.msk [tilespmem:v0+s4+$0x0], vm2;
	[tilespmem:s0+$0xFFFFFFE0] =	vst v7;
	v1 =	vmov v9  }
0x3f: {  	s2 =	sadd.s32 $0x40, s2;
	vm2 =	vlt.s32 v11, $0xC300;
	v7 =	vld.idx.msk [tilespmem:v10+s4+$0x0], vm7;
	v0 =	vmov v11  }
0x40: {  	_ =	sdelay $0x1  }
0x41: {  	vm7 =	vlt.s32 v3, $0xC300;
	_ =	sdelay $0x2  }
0x42: {  	v2 =	vld.idx.msk [tilespmem:v2+s4+$0x0], vm5  }
0x43: {  	v4 =	vnsel vm3, $0x0, v4;
	s0 =	sadd.s32 $0x40, s0;
	v1 =	vld.idx.msk [tilespmem:v1+s4+$0x0], vm6  }
0x44: {  	v0 =	vld.idx.msk [tilespmem:v0+s4+$0x0], vm2;
	[tilespmem:s0+$0x10] =	vst v4;
	v4 =	vnsel vm0, $0x0, v5  }
0x45: {  	[tilespmem:s0+$0xFFFFFFF0] =	vst v4;
	v4 =	vnsel vm1, $0x0, v6;
	v3 =	vld.idx.msk [tilespmem:v3+s4+$0x0], vm7  }
0x46: {  	vm0 =	vmmov vm5;
	v5 =	vnsel vm4, $0x0, v7;
	[tilespmem:s0+$0x0] =	vst v4  }
0x47: {  	vm1 =	vmmov vm6;
	[tilespmem:s0+$0xFFFFFFE0] =	vst v5;
	v2 =	vnsel vm0, $0x0, v2;
	s0 =	sadd.s32 $0x40, s0  }
0x48: {  	vm0 =	vmmov vm2;
	v1 =	vnsel vm1, $0x0, v1;
	[tilespmem:s0+$0x10] =	vst v2  }
0x49: {  	vm1 =	vmmov vm7;
	[tilespmem:s0+$0xFFFFFFF0] =	vst v1;
	v0 =	vnsel vm0, $0x0, v0  }
0x4a: {  	[tilespmem:s0+$0x0] =	vst v0;
	v1 =	vnsel vm1, $0x0, v3  }
0x4b: {  	[tilespmem:s0+$0xFFFFFFE0] =	vst v1  }
0x4c: {  	s0 =	rddreg [dreg:$0x8]  }
0x4d: {  	[tilespmem:s4], [sflag:$0x1] =	stream.strided.gather [hbm4b:s0+s21], $0xC300, s22, s21, $0x38;
	[tilespmem:$0x1F500] =	vst v63  }
0x4e: {  	_ =	swait.ge [sflag:s20], $0xC300  }
0x4f: {  	[sflag:s20] =	ssyncset.done $0x0  }
0x50: {  	s29 =	rddreg [dreg:$0x9];
	[sflag:s20] =	ssyncadd.s32 $0xFFFF3D00  }
0x51: {  	[tilespmem:s5], [sflag:$0x1] =	stream.strided.gather [hbm4b:s29+s21], $0x100, s22, s21, $0x38;
	[tilespmem:$0x1F500] =	vst v63  }
0x52: {  	_ =	swait.ge [sflag:s20], $0x100  }
0x53: {  	[sflag:s20] =	ssyncset.done $0x0  }
0x54: {  	[sflag:s20] =	ssyncadd.s32 $0xFFFFFF00  }
0x55: {  	v0 =	vld [tilespmem:$0xC400]  }
0x56: {  	v1 =	vld [tilespmem:$0xC410]  }
0x57: {  	v2 =	vld [tilespmem:$0xC420]  }
0x58: {  	v3 =	vld [tilespmem:$0xC430]  }
0x59: {  	v4 =	vld [tilespmem:$0xC440]  }
0x5a: {  	[tilespmem:$0xC300] =	vst v0;
	v0 =	vld [tilespmem:$0xC450]  }
0x5b: {  	[tilespmem:$0xC310] =	vst v1;
	v1 =	vld [tilespmem:$0xC460]  }
0x5c: {  	[tilespmem:$0xC320] =	vst v2;
	v2 =	vld [tilespmem:$0xC470]  }
0x5d: {  	[tilespmem:$0xC330] =	vst v3;
	v3 =	vld [tilespmem:$0xC480]  }
0x5e: {  	[tilespmem:$0xC340] =	vst v4;
	v4 =	vld [tilespmem:$0xC490]  }
0x5f: {  	[tilespmem:$0xC350] =	vst v0  }
0x60: {  	[tilespmem:$0xC360] =	vst v1  }
0x61: {  	[tilespmem:$0xC370] =	vst v2  }
0x62: {  	[tilespmem:$0xC380] =	vst v3  }
0x63: {  	s31 =	simm.s32 $0xC520;
	[tilespmem:$0xC390] =	vst v4  }
0x64: {  	v0 =	vld [tilespmem:s31+$0x10]  }
0x65: {  	v1 =	vld [tilespmem:s31+$0xFFFFFFE0]  }
0x66: {  	v2 =	vld [tilespmem:s31+$0xFFFFFFF0]  }
0x67: {  	v3 =	vld [tilespmem:s31+$0x0];
	_ =	sdelay $0x1  }
0x68: {  	vm4 =	vgt.s32 v0, $0xC2FF  }
0x69: {  	s1 =	simm.s32 $0xC560;
	v0 =	vadd.s32 $0xFFFF3D00, v0;
	vm0 =	vgt.s32 v1, $0xC2FF  }
0x6a: {  	s0 =	simm.s32 $0x12520;
	v4 =	vld [tilespmem:s1+$0x10];
	vm1 =	vgt.s32 v2, $0xC2FF;
	vm3 =	vmmov vm0  }
0x6b: {  	v6 =	vld [tilespmem:s0+$0x10];
	v1 =	vadd.s32 $0xFFFF3D00, v1;
	vm0 =	vgt.s32 v3, $0xC2FF;
	vm2 =	vmmov vm1  }
0x6c: {  	v7 =	vld [tilespmem:s1+$0xFFFFFFF0];
	v2 =	vadd.s32 $0xFFFF3D00, v2;
	vm0 =	vmmov vm0  }
0x6d: {  	v8 =	vld [tilespmem:s1+$0x0];
	v5 =	vadd.s32 $0xFFFF3D00, v3  }
0x6e: {  	v0 =	vld.idx.msk [tilespmem:v0+s4+$0x0], vm4  }
0x6f: {  	v9 =	vld [tilespmem:s1+$0xFFFFFFE0]  }
0x70: {  	vm1 =	vgt.s32 v4, $0xC2FF;
	v10 =	vld.idx.msk [tilespmem:v1+s4+$0x0], vm3  }
0x71: {  	v4 =	vadd.s32 $0xFFFF3D00, v4;
	v3 =	vld.idx.msk [tilespmem:v2+s4+$0x0], vm2  }
0x72: {  	v2 =	vld.idx.msk [tilespmem:v5+s4+$0x0], vm0  }
0x73: {  	v5 =	vld [tilespmem:s0+$0xFFFFFFE0];
	v0 =	vnsel vm4, $0x0, v0  }
0x74: {  	vm4 =	vgt.s32 v7, $0xC2FF;
	v11 =	vadd.f32 v0, v6;
	v0 =	vadd.s32 $0xFFFF3D00, v7;
	v7 =	vld [tilespmem:s0+$0xFFFFFFF0]  }
0x75: {  	vm5 =	vgt.s32 v8, $0xC2FF;
	vm6 =	vgt.s32 v9, $0xC2FF;
	v1 =	vadd.s32 $0xFFFF3D00, v8;
	v6 =	vld [tilespmem:s0+$0x0]  }
0x76: {  	s3 =	simm.s32 $0xC5A0;
	s2 =	simm.s32 $0x12520;
	s1 =	simm.s32 $0x40;
	v8 =	vadd.s32 $0xFFFF3D00, v9;
	v4 =	vld.idx.msk [tilespmem:v4+s4+$0x0], vm1;
	v9 =	vnsel vm3, $0x0, v10;
	vm3 =	vmmov vm6;
	[tilespmem:s0+$0x10] =	vst v11  }
.LBB2_4:
0x77: {  	v10 =	vld [tilespmem:s3+$0x10];
	s1 =	sadd.s32 $0x40, s1;
	v3 =	vnsel vm2, $0x0, v3;
	s0 =	sadd.s32 $0x40, s0;
	vm2 =	vmmov vm4  }
0x78: {  	v2 =	vnsel vm0, $0x0, v2;
	vm0 =	vmmov vm5;
	p0 =	slt.u32 s1, $0x3FC0;
	v11 =	vld [tilespmem:s0+$0x10];
	v5 =	vadd.f32 v9, v5  }
0x79: {  	v9 =	vld [tilespmem:s3+$0xFFFFFFF0];
	v3 =	vadd.f32 v3, v7  }
0x7a: {  	v7 =	vld [tilespmem:s3+$0x0];
	[tilespmem:s2+$0xFFFFFFE0] =	vst v5;
	v2 =	vadd.f32 v2, v6  }
0x7b: {  	v6 =	vld [tilespmem:s3+$0xFFFFFFE0];
	[tilespmem:s2+$0xFFFFFFF0] =	vst v3  }
0x7c: {  	v4 =	vnsel vm1, $0x0, v4;
	v12 =	vld.idx.msk [tilespmem:v8+s4+$0x0], vm3;
	vm1 =	vgt.s32 v10, $0xC2FF;
	[tilespmem:s2+$0x0] =	vst v2;
	s2 =	smov.u32 s0  }
0x7d: {  	v10 =	vadd.s32 $0xFFFF3D00, v10;
	v3 =	vld.idx.msk [tilespmem:v0+s4+$0x0], vm4;
	v4 =	vadd.f32 v4, v11  }
.Ltmp1:
0x7e: {  	vm4 =	vgt.s32 v9, $0xC2FF;
	v0 =	vadd.s32 $0xFFFF3D00, v9;
	v2 =	vld.idx.msk [tilespmem:v1+s4+$0x0], vm5;
	(pc) =	sbr.rel @p0 .LBB2_4-.Ltmp1, $4  }
0x7f: {  	vm5 =	vgt.s32 v7, $0xC2FF;
	v1 =	vadd.s32 $0xFFFF3D00, v7;
	v5 =	vld [tilespmem:s0+$0xFFFFFFE0];
	[tilespmem:s0+$0x10] =	vst v4  }
0x80: {  	vm6 =	vgt.s32 v6, $0xC2FF;
	v8 =	vadd.s32 $0xFFFF3D00, v6;
	v7 =	vld [tilespmem:s0+$0xFFFFFFF0]  }
0x81: {  	v6 =	vld [tilespmem:s0+$0x0]  }
0x82: {  	s3 =	sadd.s32 $0x40, s3;
	v9 =	vnsel vm3, $0x0, v12;
	vm3 =	vmmov vm6;
	v4 =	vld.idx.msk [tilespmem:v10+s4+$0x0], vm1  }
0x83: {  	_ =	sdelay $0x2  }
0x84: {  	vm4 =	vmmov vm4  }
0x85: {  	vm5 =	vmmov vm5  }
0x86: {  	s0 =	sadd.s32 $0x40, s0;
	v8 =	vld.idx.msk [tilespmem:v8+s4+$0x0], vm3  }
0x87: {  	v10 =	vld [tilespmem:s0+$0x10]  }
0x88: {  	v11 =	vld [tilespmem:s0+$0xFFFFFFE0]  }
0x89: {  	v5 =	vadd.f32 v9, v5;
	v9 =	vld [tilespmem:s0+$0xFFFFFFF0]  }
0x8a: {  	v0 =	vld.idx.msk [tilespmem:v0+s4+$0x0], vm4  }
0x8b: {  	v3 =	vnsel vm2, $0x0, v3;
	v1 =	vld.idx.msk [tilespmem:v1+s4+$0x0], vm5  }
0x8c: {  	v2 =	vnsel vm0, $0x0, v2;
	v3 =	vadd.f32 v3, v7;
	v7 =	vld [tilespmem:s0+$0x0]  }
0x8d: {  	[tilespmem:s2+$0xFFFFFFE0] =	vst v5;
	v2 =	vadd.f32 v2, v6;
	v4 =	vnsel vm1, $0x0, v4  }
0x8e: {  	[tilespmem:s2+$0xFFFFFFF0] =	vst v3;
	v3 =	vadd.f32 v4, v10;
	v4 =	vnsel vm3, $0x0, v8  }
0x8f: {  	[tilespmem:s2+$0x0] =	vst v2;
	v2 =	vadd.f32 v4, v11;
	v0 =	vnsel vm4, $0x0, v0  }
0x90: {  	[tilespmem:s0+$0x10] =	vst v3;
	v1 =	vnsel vm5, $0x0, v1;
	v0 =	vadd.f32 v0, v9  }
0x91: {  	[tilespmem:s0+$0xFFFFFFE0] =	vst v2;
	v1 =	vadd.f32 v1, v7  }
0x92: {  	[tilespmem:s0+$0xFFFFFFF0] =	vst v0  }
0x93: {  	[tilespmem:s0+$0x0] =	vst v1  }
0x94: {  	s0 =	rddreg [dreg:$0xa]  }
0x95: {  	[tilespmem:s4], [sflag:$0x1] =	stream.strided.gather [hbm4b:s0+s21], $0xC300, s22, s21, $0x38;
	[tilespmem:$0x1F500] =	vst v63  }
0x96: {  	_ =	swait.ge [sflag:s20], $0xC300  }
0x97: {  	[sflag:s20] =	ssyncset.done $0x0  }
0x98: {  	[sflag:s20] =	ssyncadd.s32 $0xFFFF3D00  }
0x99: {  	[tilespmem:s24], [sflag:$0x1] =	stream.linear.gather [hbm4b:s19+s4], $0x2000, $0x38;
	[tilespmem:$0x1F500] =	vst v63  }
0x9a: {  	_ =	swait.ge [sflag:s20], $0x2000  }
0x9b: {  	[sflag:s20] =	ssyncset.done $0x0  }
0x9c: {  	s29 =	simm.s32 $0x10520;
	[sflag:s20] =	ssyncadd.s32 $0xFFFFE000  }
0x9d: {  	v0 =	vld [tilespmem:s29+$0x10];
	_ =	sdelay $0x1  }
0x9e: {  	v2 =	vld [tilespmem:s29+$0xFFFFFFE0]  }
0x9f: {  	v4 =	vld [tilespmem:s29+$0xFFFFFFF0]  }
0xa0: {  	v5 =	vld [tilespmem:s29+$0x0]  }
0xa1: {  	vm3 =	vlt.s32 v0, $0xC300  }
0xa2: {  	s31 =	simm.s32 $0x10560  }
0xa3: {  	s2 =	simm.s32 $0x12520;
	v9 =	vld [tilespmem:s31+$0x10];
	vm0 =	vlt.s32 v2, $0xC300  }
0xa4: {  	v7 =	vld [tilespmem:s2+$0x10];
	vm1 =	vlt.s32 v4, $0xC300;
	vm6 =	vmmov vm0  }
0xa5: {  	v1 =	vld [tilespmem:s31+$0x0];
	vm0 =	vlt.s32 v5, $0xC300;
	vm2 =	vmmov vm1  }
0xa6: {  	v3 =	vld [tilespmem:s31+$0xFFFFFFE0];
	vm1 =	vmmov vm0  }
0xa7: {  	v6 =	vld.idx.msk [tilespmem:v0+s4+$0x0], vm3  }
0xa8: {  	v8 =	vld [tilespmem:s2+$0xFFFFFFE0]  }
0xa9: {  	vm0 =	vlt.s32 v9, $0xC300;
	v0 =	vld [tilespmem:s31+$0xFFFFFFF0]  }
0xaa: {  	v10 =	vld.idx.msk [tilespmem:v2+s4+$0x0], vm6  }
0xab: {  	v4 =	vld.idx.msk [tilespmem:v4+s4+$0x0], vm2  }
0xac: {  	v2 =	vld.idx.msk [tilespmem:v5+s4+$0x0], vm1;
	v5 =	vnsel vm3, $0x0, v6  }
0xad: {  	v6 =	vld [tilespmem:s2+$0xFFFFFFF0];
	v5 =	vmul.f32 v7, v5  }
0xae: {  	s0 =	simm.s32 $0x16520;
	vm5 =	vlt.s32 v1, $0xC300;
	vm3 =	vlt.s32 v3, $0xC300;
	v7 =	vld [tilespmem:s2+$0x0]  }
0xaf: {  	s1 =	simm.s32 $0x40;
	s3 =	simm.s32 $0x105A0;
	vm4 =	vlt.s32 v0, $0xC300;
	vm3 =	vmmov vm3;
	[tilespmem:s0+$0x10] =	vst v5;
	v5 =	vld.idx.msk [tilespmem:v9+s4+$0x0], vm0;
	v9 =	vnsel vm6, $0x0, v10  }
.LBB2_6:
0xb0: {  	v10 =	vld [tilespmem:s3+$0x10];
	s1 =	sadd.s32 $0x40, s1;
	v4 =	vnsel vm2, $0x0, v4;
	s2 =	sadd.s32 $0x40, s2;
	vm2 =	vmmov vm4  }
0xb1: {  	v2 =	vnsel vm1, $0x0, v2;
	vm1 =	vmmov vm5;
	p0 =	slt.u32 s1, $0x1FC0;
	v11 =	vld [tilespmem:s2+$0x10];
	v8 =	vmul.f32 v8, v9  }
0xb2: {  	v9 =	vld [tilespmem:s3+$0xFFFFFFF0];
	v4 =	vmul.f32 v6, v4  }
0xb3: {  	v6 =	vld [tilespmem:s3+$0x0];
	[tilespmem:s0+$0xFFFFFFE0] =	vst v8;
	v2 =	vmul.f32 v7, v2  }
0xb4: {  	v7 =	vld [tilespmem:s3+$0xFFFFFFE0];
	[tilespmem:s0+$0xFFFFFFF0] =	vst v4  }
0xb5: {  	v12 =	vld.idx.msk [tilespmem:v3+s4+$0x0], vm3;
	v3 =	vnsel vm0, $0x0, v5;
	vm0 =	vlt.s32 v10, $0xC300;
	[tilespmem:s0+$0x0] =	vst v2  }
0xb6: {  	v4 =	vld.idx.msk [tilespmem:v0+s4+$0x0], vm4;
	v5 =	vmul.f32 v11, v3  }
.Ltmp2:
0xb7: {  	s0 =	sadd.s32 $0x40, s0;
	vm4 =	vlt.s32 v9, $0xC300;
	v2 =	vld.idx.msk [tilespmem:v1+s4+$0x0], vm5;
	v0 =	vmov v9;
	(pc) =	sbr.rel @p0 .LBB2_6-.Ltmp2, $4  }
0xb8: {  	vm5 =	vlt.s32 v6, $0xC300;
	v8 =	vld [tilespmem:s2+$0xFFFFFFE0];
	[tilespmem:s0+$0x10] =	vst v5;
	v1 =	vmov v6  }
0xb9: {  	vm6 =	vlt.s32 v7, $0xC300;
	v6 =	vld [tilespmem:s2+$0xFFFFFFF0];
	v3 =	vmov v7  }
0xba: {  	v7 =	vld [tilespmem:s2+$0x0]  }
0xbb: {  	s3 =	sadd.s32 $0x40, s3;
	v9 =	vnsel vm3, $0x0, v12;
	vm3 =	vmmov vm6;
	v5 =	vld.idx.msk [tilespmem:v10+s4+$0x0], vm0  }
0xbc: {  	_ =	sdelay $0x2  }
0xbd: {  	vm4 =	vmmov vm4  }
0xbe: {  	vm5 =	vmmov vm5  }
0xbf: {  	s1 =	sadd.s32 $0x40, s2;
	v3 =	vld.idx.msk [tilespmem:v3+s4+$0x0], vm3  }
0xc0: {  	v10 =	vld [tilespmem:s1+$0x10]  }
0xc1: {  	v11 =	vld [tilespmem:s1+$0xFFFFFFE0]  }
0xc2: {  	v8 =	vmul.f32 v8, v9;
	v9 =	vld [tilespmem:s1+$0xFFFFFFF0]  }
0xc3: {  	v0 =	vld.idx.msk [tilespmem:v0+s4+$0x0], vm4  }
0xc4: {  	v4 =	vnsel vm2, $0x0, v4;
	v1 =	vld.idx.msk [tilespmem:v1+s4+$0x0], vm5  }
0xc5: {  	v2 =	vnsel vm1, $0x0, v2;
	v4 =	vmul.f32 v6, v4;
	v6 =	vld [tilespmem:s1+$0x0]  }
0xc6: {  	[tilespmem:s0+$0xFFFFFFE0] =	vst v8;
	v2 =	vmul.f32 v7, v2;
	v5 =	vnsel vm0, $0x0, v5  }
0xc7: {  	[tilespmem:s0+$0xFFFFFFF0] =	vst v4;
	v3 =	vnsel vm3, $0x0, v3;
	v4 =	vmul.f32 v10, v5  }
0xc8: {  	s25 =	sadd.s32 $0x40, s0;
	[tilespmem:s0+$0x0] =	vst v2;
	v2 =	vmul.f32 v11, v3;
	v0 =	vnsel vm4, $0x0, v0  }
0xc9: {  	[tilespmem:s25+$0x10] =	vst v4;
	v1 =	vnsel vm5, $0x0, v1;
	v0 =	vmul.f32 v9, v0  }
0xca: {  	[tilespmem:s25+$0xFFFFFFE0] =	vst v2;
	v1 =	vmul.f32 v6, v1  }
0xcb: {  	[tilespmem:s25+$0xFFFFFFF0] =	vst v0  }
0xcc: {  	[tilespmem:s25+$0x0] =	vst v1  }
0xcd: {  	[tilespmem:s24], [sflag:$0x1] =	stream.linear.gather [hbm4b:s9+s4], $0x2000, $0x38;
	[tilespmem:$0x1F500] =	vst v63  }
0xce: {  	_ =	swait.ge [sflag:s20], $0x2000  }
0xcf: {  	[sflag:s20] =	ssyncset.done $0x0  }
0xd0: {  	s29 =	simm.s32 $0x10520;
	[sflag:s20] =	ssyncadd.s32 $0xFFFFE000  }
0xd1: {  	v0 =	vld [tilespmem:s29+$0x10];
	_ =	sdelay $0x1  }
0xd2: {  	v2 =	vld [tilespmem:s29+$0xFFFFFFE0]  }
0xd3: {  	v4 =	vld [tilespmem:s29+$0xFFFFFFF0]  }
0xd4: {  	v5 =	vld [tilespmem:s29+$0x0]  }
0xd5: {  	vm3 =	vlt.s32 v0, $0xC300  }
0xd6: {  	s31 =	simm.s32 $0x10560  }
0xd7: {  	s2 =	simm.s32 $0x14530;
	v9 =	vld [tilespmem:s31+$0x10];
	vm0 =	vlt.s32 v2, $0xC300  }
0xd8: {  	v7 =	vld [tilespmem:s2+$0x0];
	vm1 =	vlt.s32 v4, $0xC300;
	vm6 =	vmmov vm0  }
0xd9: {  	v1 =	vld [tilespmem:s31+$0x0];
	vm0 =	vlt.s32 v5, $0xC300;
	vm2 =	vmmov vm1  }
0xda: {  	v3 =	vld [tilespmem:s31+$0xFFFFFFE0];
	vm1 =	vmmov vm0  }
0xdb: {  	v6 =	vld.idx.msk [tilespmem:v0+s4+$0x0], vm3  }
0xdc: {  	v8 =	vld [tilespmem:s2+$0xFFFFFFD0]  }
0xdd: {  	vm0 =	vlt.s32 v9, $0xC300;
	v0 =	vld [tilespmem:s31+$0xFFFFFFF0]  }
0xde: {  	v10 =	vld.idx.msk [tilespmem:v2+s4+$0x0], vm6  }
0xdf: {  	v4 =	vld.idx.msk [tilespmem:v4+s4+$0x0], vm2  }
0xe0: {  	v2 =	vld.idx.msk [tilespmem:v5+s4+$0x0], vm1;
	v5 =	vnsel vm3, $0x0, v6  }
0xe1: {  	v6 =	vld [tilespmem:s2+$0xFFFFFFE0];
	v5 =	vmul.f32 v7, v5  }
0xe2: {  	s0 =	simm.s32 $0x18530;
	vm5 =	vlt.s32 v1, $0xC300;
	vm3 =	vlt.s32 v3, $0xC300;
	v7 =	vld [tilespmem:s2+$0xFFFFFFF0]  }
0xe3: {  	s3 =	simm.s32 $0x105A0;
	s1 =	simm.s32 $0x40;
	vm4 =	vlt.s32 v0, $0xC300;
	vm3 =	vmmov vm3;
	[tilespmem:s0+$0x0] =	vst v5;
	v5 =	vld.idx.msk [tilespmem:v9+s4+$0x0], vm0;
	v9 =	vnsel vm6, $0x0, v10  }
.LBB2_8:
0xe4: {  	v10 =	vld [tilespmem:s3+$0x10];
	s1 =	sadd.s32 $0x40, s1;
	v4 =	vnsel vm2, $0x0, v4;
	s2 =	sadd.s32 $0x40, s2;
	vm2 =	vmmov vm4  }
0xe5: {  	v2 =	vnsel vm1, $0x0, v2;
	vm1 =	vmmov vm5;
	p0 =	slt.u32 s1, $0x1FC0;
	v11 =	vld [tilespmem:s2+$0x0];
	v8 =	vmul.f32 v8, v9  }
0xe6: {  	v9 =	vld [tilespmem:s3+$0xFFFFFFF0];
	v4 =	vmul.f32 v6, v4  }
0xe7: {  	v6 =	vld [tilespmem:s3+$0x0];
	[tilespmem:s0+$0xFFFFFFD0] =	vst v8;
	v2 =	vmul.f32 v7, v2  }
0xe8: {  	v7 =	vld [tilespmem:s3+$0xFFFFFFE0];
	[tilespmem:s0+$0xFFFFFFE0] =	vst v4  }
0xe9: {  	v12 =	vld.idx.msk [tilespmem:v3+s4+$0x0], vm3;
	v3 =	vnsel vm0, $0x0, v5;
	vm0 =	vlt.s32 v10, $0xC300;
	[tilespmem:s0+$0xFFFFFFF0] =	vst v2  }
0xea: {  	v4 =	vld.idx.msk [tilespmem:v0+s4+$0x0], vm4;
	v5 =	vmul.f32 v11, v3  }
.Ltmp3:
0xeb: {  	s0 =	sadd.s32 $0x40, s0;
	vm4 =	vlt.s32 v9, $0xC300;
	v2 =	vld.idx.msk [tilespmem:v1+s4+$0x0], vm5;
	v0 =	vmov v9;
	(pc) =	sbr.rel @p0 .LBB2_8-.Ltmp3, $4  }
0xec: {  	vm5 =	vlt.s32 v6, $0xC300;
	v8 =	vld [tilespmem:s2+$0xFFFFFFD0];
	[tilespmem:s0+$0x0] =	vst v5;
	v1 =	vmov v6  }
0xed: {  	vm6 =	vlt.s32 v7, $0xC300;
	v6 =	vld [tilespmem:s2+$0xFFFFFFE0];
	v3 =	vmov v7  }
0xee: {  	v7 =	vld [tilespmem:s2+$0xFFFFFFF0]  }
0xef: {  	s3 =	sadd.s32 $0x40, s3;
	v9 =	vnsel vm3, $0x0, v12;
	vm3 =	vmmov vm6;
	v5 =	vld.idx.msk [tilespmem:v10+s4+$0x0], vm0  }
0xf0: {  	_ =	sdelay $0x2  }
0xf1: {  	vm4 =	vmmov vm4  }
0xf2: {  	vm5 =	vmmov vm5  }
0xf3: {  	s1 =	sadd.s32 $0x40, s2;
	v3 =	vld.idx.msk [tilespmem:v3+s4+$0x0], vm3  }
0xf4: {  	v10 =	vld [tilespmem:s1+$0x0]  }
0xf5: {  	v11 =	vld [tilespmem:s1+$0xFFFFFFD0]  }
0xf6: {  	v60 =	vld [tilespmem:s1+$0xFFFFFFE0]  }
0xf7: {  	v0 =	vld.idx.msk [tilespmem:v0+s4+$0x0], vm4  }
0xf8: {  	v4 =	vnsel vm2, $0x0, v4;
	v8 =	vmul.f32 v8, v9;
	v1 =	vld.idx.msk [tilespmem:v1+s4+$0x0], vm5  }
0xf9: {  	v2 =	vnsel vm1, $0x0, v2;
	v4 =	vmul.f32 v6, v4;
	v6 =	vld [tilespmem:s1+$0xFFFFFFF0]  }
0xfa: {  	[tilespmem:s0+$0xFFFFFFD0] =	vst v8;
	v2 =	vmul.f32 v7, v2;
	v5 =	vnsel vm0, $0x0, v5  }
0xfb: {  	[tilespmem:s0+$0xFFFFFFE0] =	vst v4;
	v3 =	vnsel vm3, $0x0, v3;
	v4 =	vmul.f32 v10, v5  }
0xfc: {  	s11 =	sadd.s32 $0x40, s0;
	[tilespmem:s0+$0xFFFFFFF0] =	vst v2;
	v2 =	vmul.f32 v11, v3;
	v0 =	vnsel vm4, $0x0, v0  }
0xfd: {  	[tilespmem:s11+$0x0] =	vst v4;
	v1 =	vnsel vm5, $0x0, v1;
	v0 =	vmul.f32 v60, v0  }
0xfe: {  	[tilespmem:s11+$0xFFFFFFD0] =	vst v2;
	v1 =	vmul.f32 v6, v1  }
0xff: {  	[tilespmem:s11+$0xFFFFFFE0] =	vst v0  }
0x100: {  	[tilespmem:s11+$0xFFFFFFF0] =	vst v1  }
0x101: {  	s0 =	rddreg [dreg:$0xb]  }
0x102: {  	[tilespmem:s4], [sflag:$0x1] =	stream.strided.gather [hbm4b:s0+s21], $0xC300, s22, s21, $0x38;
	[tilespmem:$0x1F500] =	vst v63  }
0x103: {  	_ =	swait.ge [sflag:s20], $0xC300  }
0x104: {  	[sflag:s20] =	ssyncset.done $0x0  }
0x105: {  	s13 =	rddreg [dreg:$0xc];
	[sflag:s20] =	ssyncadd.s32 $0xFFFF3D00  }
0x106: {  	[tilespmem:s5], [sflag:$0x1] =	stream.strided.gather [hbm4b:s13+s21], $0x100, s22, s21, $0x38;
	[tilespmem:$0x1F500] =	vst v63  }
0x107: {  	_ =	swait.ge [sflag:s20], $0x100  }
0x108: {  	[sflag:s20] =	ssyncset.done $0x0  }
0x109: {  	[sflag:s20] =	ssyncadd.s32 $0xFFFFFF00  }
0x10a: {  	v0 =	vld [tilespmem:$0xC400]  }
0x10b: {  	v1 =	vld [tilespmem:$0xC410]  }
0x10c: {  	v2 =	vld [tilespmem:$0xC420]  }
0x10d: {  	v3 =	vld [tilespmem:$0xC430]  }
0x10e: {  	v4 =	vld [tilespmem:$0xC440]  }
0x10f: {  	[tilespmem:$0xC300] =	vst v0;
	v0 =	vld [tilespmem:$0xC450]  }
0x110: {  	[tilespmem:$0xC310] =	vst v1;
	v1 =	vld [tilespmem:$0xC460]  }
0x111: {  	[tilespmem:$0xC320] =	vst v2;
	v2 =	vld [tilespmem:$0xC470]  }
0x112: {  	[tilespmem:$0xC330] =	vst v3;
	v3 =	vld [tilespmem:$0xC480]  }
0x113: {  	[tilespmem:$0xC340] =	vst v4;
	v4 =	vld [tilespmem:$0xC490]  }
0x114: {  	[tilespmem:$0xC350] =	vst v0  }
0x115: {  	[tilespmem:$0xC360] =	vst v1  }
0x116: {  	[tilespmem:$0xC370] =	vst v2  }
0x117: {  	[tilespmem:$0xC380] =	vst v3  }
0x118: {  	[tilespmem:$0xC390] =	vst v4  }
0x119: {  	[tilespmem:s24], [sflag:$0x1] =	stream.linear.gather [hbm4b:s19+s4], $0x2000, $0x38;
	[tilespmem:$0x1F500] =	vst v63  }
0x11a: {  	_ =	swait.ge [sflag:s20], $0x2000  }
0x11b: {  	[sflag:s20] =	ssyncset.done $0x0  }
0x11c: {  	s23 =	simm.s32 $0x10520;
	[sflag:s20] =	ssyncadd.s32 $0xFFFFE000  }
0x11d: {  	v0 =	vld [tilespmem:s23+$0x10]  }
0x11e: {  	v1 =	vld [tilespmem:s23+$0xFFFFFFF0]  }
0x11f: {  	v2 =	vld [tilespmem:s23+$0xFFFFFFE0]  }
0x120: {  	s25 =	simm.s32 $0x12520;
	v3 =	vld [tilespmem:s23+$0x0]  }
0x121: {  	s31 =	simm.s32 $0x16520;
	v4 =	vld [tilespmem:s25+$0x10]  }
0x122: {  	s29 =	simm.s32 $0x10560;
	v5 =	vld [tilespmem:s31+$0x10]  }
0x123: {  	v6 =	vld [tilespmem:s29+$0x10];
	vm4 =	vgt.s32 v0, $0xC2FF  }
0x124: {  	v7 =	vld [tilespmem:s29+$0xFFFFFFF0];
	vm3 =	vgt.s32 v1, $0xC2FF;
	v0 =	vadd.s32 $0xFFFF3D00, v0  }
0x125: {  	v8 =	vld [tilespmem:s29+$0x0];
	v1 =	vadd.s32 $0xFFFF3D00, v1;
	vm5 =	vgt.s32 v2, $0xC2FF  }
0x126: {  	v61 =	vld [tilespmem:s29+$0xFFFFFFE0];
	v2 =	vadd.s32 $0xFFFF3D00, v2;
	vm0 =	vgt.s32 v3, $0xC2FF  }
0x127: {  	v62 =	vld [tilespmem:s25+$0xFFFFFFE0];
	v3 =	vadd.s32 $0xFFFF3D00, v3  }
0x128: {  	v63 =	vld [tilespmem:s25+$0xFFFFFFF0]  }
0x129: {  	v0 =	vld.idx.msk [tilespmem:v0+s4+$0x0], vm4  }
0x12a: {  	v1 =	vld.idx.msk [tilespmem:v1+s4+$0x0], vm3  }
0x12b: {  	vm1 =	vgt.s32 v6, $0xC2FF;
	v2 =	vld.idx.msk [tilespmem:v2+s4+$0x0], vm5  }
0x12c: {  	v6 =	vadd.s32 $0xFFFF3D00, v6;
	vm6 =	vmmov vm0;
	v3 =	vld.idx.msk [tilespmem:v3+s4+$0x0], vm0;
	vm0 =	vgt.s32 v7, $0xC2FF  }
0x12d: {  	v12 =	vld [tilespmem:s25+$0x0];
	v7 =	vadd.s32 $0xFFFF3D00, v7  }
0x12e: {  	v13 =	vld [tilespmem:s31+$0xFFFFFFE0];
	vm2 =	vgt.s32 v61, $0xC2FF;
	v0 =	vnsel vm4, $0x0, v0  }
0x12f: {  	v14 =	vld [tilespmem:s31+$0xFFFFFFF0];
	v9 =	vadd.s32 $0xFFFF3D00, v61;
	v0 =	vmul.f32 v4, v0  }
0x130: {  	v15 =	vld [tilespmem:s31+$0x0];
	v2 =	vnsel vm5, $0x0, v2  }
0x131: {  	v4 =	vmul.f32 v62, v2;
	v2 =	vld.idx.msk [tilespmem:v6+s4+$0x0], vm1;
	v0 =	vadd.f32 v0, v5;
	v5 =	vnsel vm3, $0x0, v1  }
0x132: {  	s0 =	simm.s32 $0x12560;
	v3 =	vnsel vm6, $0x0, v3;
	v1 =	vld.idx.msk [tilespmem:v7+s4+$0x0], vm0;
	v5 =	vmul.f32 v63, v5  }
0x133: {  	v7 =	vmul.f32 v12, v3;
	v3 =	vld [tilespmem:s0+$0x10];
	v10 =	vadd.f32 v4, v13;
	vm3 =	vgt.s32 v8, $0xC2FF  }
0x134: {  	s2 =	simm.s32 $0x16560;
	v4 =	vld.idx.msk [tilespmem:v9+s4+$0x0], vm2;
	vm3 =	vmmov vm3;
	[tilespmem:s31+$0x10] =	vst v0;
	v6 =	vadd.f32 v5, v14  }
0x135: {  	s3 =	simm.s32 $0x40;
	s13 =	smov.u32 s19;
	s19 =	simm.s32 $0x105A0;
	v0 =	vadd.s32 $0xFFFF3D00, v8;
	[tilespmem:s31+$0xFFFFFFE0] =	vst v10;
	v7 =	vadd.f32 v7, v15;
	v5 =	vld [tilespmem:s2+$0x10]  }
.LBB2_10:
0x136: {  	v8 =	vld [tilespmem:s19+$0x10];
	s3 =	sadd.s32 $0x40, s3;
	[tilespmem:s31+$0xFFFFFFF0] =	vst v6  }
0x137: {  	v2 =	vnsel vm1, $0x0, v2;
	v6 =	vld [tilespmem:s19+$0xFFFFFFF0];
	p0 =	slt.u32 s3, $0x1FC0;
	[tilespmem:s31+$0x0] =	vst v7;
	s31 =	smov.u32 s2  }
0x138: {  	v1 =	vnsel vm0, $0x0, v1;
	v7 =	vld [tilespmem:s19+$0x0];
	v2 =	vmul.f32 v3, v2  }
0x139: {  	v3 =	vld [tilespmem:s19+$0xFFFFFFE0]  }
0x13a: {  	v4 =	vnsel vm2, $0x0, v4;
	v9 =	vld.idx.msk [tilespmem:v0+s4+$0x0], vm3;
	v0 =	vadd.f32 v2, v5  }
0x13b: {  	vm1 =	vgt.s32 v8, $0xC2FF;
	v2 =	vld [tilespmem:s0+$0xFFFFFFE0]  }
0x13c: {  	vm0 =	vgt.s32 v6, $0xC2FF;
	v5 =	vadd.s32 $0xFFFF3D00, v6;
	v6 =	vadd.s32 $0xFFFF3D00, v8;
	v8 =	vld [tilespmem:s0+$0xFFFFFFF0];
	[tilespmem:s2+$0x10] =	vst v0  }
0x13d: {  	vm4 =	vgt.s32 v7, $0xC2FF;
	v0 =	vadd.s32 $0xFFFF3D00, v7;
	v7 =	vld [tilespmem:s0+$0x0]  }
0x13e: {  	vm2 =	vgt.s32 v3, $0xC2FF;
	v10 =	vadd.s32 $0xFFFF3D00, v3;
	v11 =	vld [tilespmem:s2+$0xFFFFFFE0]  }
0x13f: {  	v12 =	vld [tilespmem:s2+$0xFFFFFFF0]  }
0x140: {  	v3 =	vnsel vm3, $0x0, v9;
	vm3 =	vmmov vm4;
	v4 =	vmul.f32 v2, v4;
	v13 =	vld [tilespmem:s2+$0x0]  }
.Ltmp4:
0x141: {  	v2 =	vld.idx.msk [tilespmem:v6+s4+$0x0], vm1;
	v6 =	vmul.f32 v8, v1;
	(pc) =	sbr.rel @p0 .LBB2_10-.Ltmp4, $4  }
0x142: {  	s0 =	sadd.s32 $0x40, s0;
	v1 =	vld.idx.msk [tilespmem:v5+s4+$0x0], vm0;
	v7 =	vmul.f32 v7, v3  }
0x143: {  	v3 =	vld [tilespmem:s0+$0x10];
	v8 =	vadd.f32 v4, v11  }
0x144: {  	s2 =	sadd.s32 $0x40, s2;
	v4 =	vld.idx.msk [tilespmem:v10+s4+$0x0], vm2;
	v6 =	vadd.f32 v6, v12  }
0x145: {  	s19 =	sadd.s32 $0x40, s19;
	v5 =	vld [tilespmem:s2+$0x10];
	[tilespmem:s31+$0xFFFFFFE0] =	vst v8;
	v7 =	vadd.f32 v7, v13  }
0x146: {  	_ =	sdelay $0x4  }
0x147: {  	v0 =	vld.idx.msk [tilespmem:v0+s4+$0x0], vm3  }
0x148: {  	v8 =	vld [tilespmem:s0+$0xFFFFFFE0]  }
0x149: {  	v9 =	vld [tilespmem:s0+$0xFFFFFFF0]  }
0x14a: {  	v10 =	vld [tilespmem:s0+$0x0]  }
0x14b: {  	v11 =	vld [tilespmem:s2+$0xFFFFFFE0]  }
0x14c: {  	v2 =	vnsel vm1, $0x0, v2;
	v12 =	vld [tilespmem:s2+$0xFFFFFFF0]  }
0x14d: {  	v2 =	vmul.f32 v3, v2;
	v3 =	vnsel vm2, $0x0, v4;
	v4 =	vld [tilespmem:s2+$0x0]  }
0x14e: {  	v1 =	vnsel vm0, $0x0, v1;
	v3 =	vmul.f32 v8, v3  }
0x14f: {  	[tilespmem:s31+$0xFFFFFFF0] =	vst v6;
	v2 =	vadd.f32 v2, v5;
	v0 =	vnsel vm3, $0x0, v0;
	v1 =	vmul.f32 v9, v1  }
0x150: {  	[tilespmem:s31+$0x0] =	vst v7;
	v0 =	vmul.f32 v10, v0;
	v3 =	vadd.f32 v3, v11  }
0x151: {  	[tilespmem:s2+$0x10] =	vst v2;
	v1 =	vadd.f32 v1, v12  }
0x152: {  	v0 =	vadd.f32 v0, v4;
	[tilespmem:s2+$0xFFFFFFE0] =	vst v3  }
0x153: {  	[tilespmem:s2+$0xFFFFFFF0] =	vst v1  }
0x154: {  	[tilespmem:s2+$0x0] =	vst v0  }
0x155: {  	[tilespmem:s24], [sflag:$0x1] =	stream.linear.gather [hbm4b:s9+s4], $0x2000, $0x38;
	[tilespmem:$0x1F500] =	vst v63  }
0x156: {  	_ =	swait.ge [sflag:s20], $0x2000  }
0x157: {  	[sflag:s20] =	ssyncset.done $0x0  }
0x158: {  	s25 =	simm.s32 $0x10520;
	[sflag:s20] =	ssyncadd.s32 $0xFFFFE000  }
0x159: {  	v0 =	vld [tilespmem:s25+$0x10]  }
0x15a: {  	v1 =	vld [tilespmem:s25+$0xFFFFFFF0]  }
0x15b: {  	v2 =	vld [tilespmem:s25+$0xFFFFFFE0]  }
0x15c: {  	s29 =	simm.s32 $0x14530;
	v3 =	vld [tilespmem:s25+$0x0]  }
0x15d: {  	s31 =	simm.s32 $0x18530;
	v4 =	vld [tilespmem:s29+$0x0]  }
0x15e: {  	s1 =	simm.s32 $0x10560;
	v5 =	vld [tilespmem:s31+$0x0]  }
0x15f: {  	v6 =	vld [tilespmem:s1+$0x10];
	vm4 =	vgt.s32 v0, $0xC2FF  }
0x160: {  	v7 =	vld [tilespmem:s1+$0xFFFFFFF0];
	vm3 =	vgt.s32 v1, $0xC2FF;
	v0 =	vadd.s32 $0xFFFF3D00, v0  }
0x161: {  	v8 =	vld [tilespmem:s1+$0x0];
	v1 =	vadd.s32 $0xFFFF3D00, v1;
	vm5 =	vgt.s32 v2, $0xC2FF  }
0x162: {  	v60 =	vld [tilespmem:s1+$0xFFFFFFE0];
	v2 =	vadd.s32 $0xFFFF3D00, v2;
	vm0 =	vgt.s32 v3, $0xC2FF  }
0x163: {  	v61 =	vld [tilespmem:s29+$0xFFFFFFD0];
	v3 =	vadd.s32 $0xFFFF3D00, v3  }
0x164: {  	v62 =	vld [tilespmem:s29+$0xFFFFFFE0]  }
0x165: {  	v0 =	vld.idx.msk [tilespmem:v0+s4+$0x0], vm4  }
0x166: {  	v1 =	vld.idx.msk [tilespmem:v1+s4+$0x0], vm3  }
0x167: {  	vm1 =	vgt.s32 v6, $0xC2FF;
	v2 =	vld.idx.msk [tilespmem:v2+s4+$0x0], vm5  }
0x168: {  	v6 =	vadd.s32 $0xFFFF3D00, v6;
	vm6 =	vmmov vm0;
	v3 =	vld.idx.msk [tilespmem:v3+s4+$0x0], vm0;
	vm0 =	vgt.s32 v7, $0xC2FF  }
0x169: {  	v63 =	vld [tilespmem:s29+$0xFFFFFFF0];
	v7 =	vadd.s32 $0xFFFF3D00, v7  }
0x16a: {  	v13 =	vld [tilespmem:s31+$0xFFFFFFD0];
	vm2 =	vgt.s32 v60, $0xC2FF;
	v0 =	vnsel vm4, $0x0, v0  }
0x16b: {  	v14 =	vld [tilespmem:s31+$0xFFFFFFE0];
	v9 =	vadd.s32 $0xFFFF3D00, v60;
	v0 =	vmul.f32 v4, v0  }
0x16c: {  	v15 =	vld [tilespmem:s31+$0xFFFFFFF0];
	v2 =	vnsel vm5, $0x0, v2  }
0x16d: {  	v4 =	vmul.f32 v61, v2;
	v2 =	vld.idx.msk [tilespmem:v6+s4+$0x0], vm1;
	v0 =	vadd.f32 v0, v5;
	v5 =	vnsel vm3, $0x0, v1  }
0x16e: {  	s0 =	simm.s32 $0x14570;
	v3 =	vnsel vm6, $0x0, v3;
	v1 =	vld.idx.msk [tilespmem:v7+s4+$0x0], vm0;
	v5 =	vmul.f32 v62, v5  }
0x16f: {  	v7 =	vmul.f32 v63, v3;
	v3 =	vld [tilespmem:s0+$0x0];
	v10 =	vadd.f32 v4, v13;
	vm3 =	vgt.s32 v8, $0xC2FF  }
0x170: {  	s2 =	simm.s32 $0x18570;
	v4 =	vld.idx.msk [tilespmem:v9+s4+$0x0], vm2;
	vm3 =	vmmov vm3;
	[tilespmem:s31+$0x0] =	vst v0;
	v6 =	vadd.f32 v5, v14  }
0x171: {  	s3 =	simm.s32 $0x40;
	s19 =	simm.s32 $0x105A0;
	v0 =	vadd.s32 $0xFFFF3D00, v8;
	[tilespmem:s31+$0xFFFFFFD0] =	vst v10;
	v7 =	vadd.f32 v7, v15;
	v5 =	vld [tilespmem:s2+$0x0]  }
.LBB2_12:
0x172: {  	v8 =	vld [tilespmem:s19+$0x10];
	s3 =	sadd.s32 $0x40, s3;
	[tilespmem:s31+$0xFFFFFFE0] =	vst v6  }
0x173: {  	v2 =	vnsel vm1, $0x0, v2;
	v6 =	vld [tilespmem:s19+$0xFFFFFFF0];
	p0 =	slt.u32 s3, $0x1FC0;
	[tilespmem:s31+$0xFFFFFFF0] =	vst v7;
	s31 =	smov.u32 s2  }
0x174: {  	v1 =	vnsel vm0, $0x0, v1;
	v7 =	vld [tilespmem:s19+$0x0];
	v2 =	vmul.f32 v3, v2  }
0x175: {  	v3 =	vld [tilespmem:s19+$0xFFFFFFE0]  }
0x176: {  	v4 =	vnsel vm2, $0x0, v4;
	v9 =	vld.idx.msk [tilespmem:v0+s4+$0x0], vm3;
	v0 =	vadd.f32 v2, v5  }
0x177: {  	vm1 =	vgt.s32 v8, $0xC2FF;
	v2 =	vld [tilespmem:s0+$0xFFFFFFD0]  }
0x178: {  	vm0 =	vgt.s32 v6, $0xC2FF;
	v5 =	vadd.s32 $0xFFFF3D00, v6;
	v6 =	vadd.s32 $0xFFFF3D00, v8;
	v8 =	vld [tilespmem:s0+$0xFFFFFFE0];
	[tilespmem:s2+$0x0] =	vst v0  }
0x179: {  	vm4 =	vgt.s32 v7, $0xC2FF;
	v0 =	vadd.s32 $0xFFFF3D00, v7;
	v7 =	vld [tilespmem:s0+$0xFFFFFFF0]  }
0x17a: {  	vm2 =	vgt.s32 v3, $0xC2FF;
	v10 =	vadd.s32 $0xFFFF3D00, v3;
	v11 =	vld [tilespmem:s2+$0xFFFFFFD0]  }
0x17b: {  	v12 =	vld [tilespmem:s2+$0xFFFFFFE0]  }
0x17c: {  	v3 =	vnsel vm3, $0x0, v9;
	vm3 =	vmmov vm4;
	v4 =	vmul.f32 v2, v4;
	v13 =	vld [tilespmem:s2+$0xFFFFFFF0]  }
.Ltmp5:
0x17d: {  	v2 =	vld.idx.msk [tilespmem:v6+s4+$0x0], vm1;
	v6 =	vmul.f32 v8, v1;
	(pc) =	sbr.rel @p0 .LBB2_12-.Ltmp5, $4  }
0x17e: {  	s0 =	sadd.s32 $0x40, s0;
	v1 =	vld.idx.msk [tilespmem:v5+s4+$0x0], vm0;
	v7 =	vmul.f32 v7, v3  }
0x17f: {  	v3 =	vld [tilespmem:s0+$0x0];
	v8 =	vadd.f32 v4, v11  }
0x180: {  	s2 =	sadd.s32 $0x40, s2;
	v4 =	vld.idx.msk [tilespmem:v10+s4+$0x0], vm2;
	v6 =	vadd.f32 v6, v12  }
0x181: {  	s19 =	sadd.s32 $0x40, s19;
	v5 =	vld [tilespmem:s2+$0x0];
	[tilespmem:s31+$0xFFFFFFD0] =	vst v8;
	v7 =	vadd.f32 v7, v13  }
0x182: {  	_ =	sdelay $0x4  }
0x183: {  	v0 =	vld.idx.msk [tilespmem:v0+s4+$0x0], vm3  }
0x184: {  	v8 =	vld [tilespmem:s0+$0xFFFFFFD0]  }
0x185: {  	v9 =	vld [tilespmem:s0+$0xFFFFFFE0]  }
0x186: {  	v10 =	vld [tilespmem:s0+$0xFFFFFFF0]  }
0x187: {  	v11 =	vld [tilespmem:s2+$0xFFFFFFD0]  }
0x188: {  	v2 =	vnsel vm1, $0x0, v2;
	v12 =	vld [tilespmem:s2+$0xFFFFFFE0]  }
0x189: {  	v2 =	vmul.f32 v3, v2;
	v3 =	vnsel vm2, $0x0, v4;
	v4 =	vld [tilespmem:s2+$0xFFFFFFF0]  }
0x18a: {  	v1 =	vnsel vm0, $0x0, v1;
	v3 =	vmul.f32 v8, v3  }
0x18b: {  	[tilespmem:s31+$0xFFFFFFE0] =	vst v6;
	v2 =	vadd.f32 v2, v5;
	v1 =	vmul.f32 v9, v1;
	v0 =	vnsel vm3, $0x0, v0  }
0x18c: {  	[tilespmem:s31+$0xFFFFFFF0] =	vst v7;
	v0 =	vmul.f32 v10, v0;
	v3 =	vadd.f32 v3, v11  }
0x18d: {  	[tilespmem:s2+$0x0] =	vst v2;
	v1 =	vadd.f32 v1, v12  }
0x18e: {  	v0 =	vadd.f32 v0, v4;
	[tilespmem:s2+$0xFFFFFFD0] =	vst v3  }
0x18f: {  	[tilespmem:s2+$0xFFFFFFE0] =	vst v1  }
0x190: {  	[tilespmem:s2+$0xFFFFFFF0] =	vst v0  }
0x191: {  	s8 =	rddreg [dreg:$0xd]  }
0x192: {  	[spmem:s8] =	stream.strided.scatter [tilespmem:s6], [sflag:$0x1], $0x4000, s22, s21, $0x38;
	[tilespmem:$0x1F500] =	vst v63  }
0x193: {  	_ =	swait.ge [sflag:s20], $0x4000  }
0x194: {  	[sflag:s20] =	ssyncset.done $0x0  }
0x195: {  	[sflag:s20] =	ssyncadd.s32 $0xFFFFC000  }
0x196: {  	s3 =	simm.s32 $0x0;
	s2 =	simm.s32 $0x0;
	[bflag:$0x0] =	sbarrier.arrive $0xFFFF  }
0x197: {  	[tilespmem:s28], [sflag:$0x1] =	stream.strided.gather [spmem:s12], $0x1000, s22, s26, $0x38;
	[tilespmem:$0x1F500] =	vst v63  }
0x198: {  	s10 =	sand.u32 $0x40, s3;
	s1 =	sand.u32 $0xE00, s2;
	_ =	swait.ge [sflag:s20], $0x1000  }
0x199: {  	s23 =	sor.u32 $0x30, s10;
	s1 =	sadd.s32 $0x1A500, s1;
	[sflag:s20] =	ssyncset.done $0x0  }
0x19a: {  	s5 =	sor.u32 s23, s1;
	[sflag:s20] =	ssyncadd.s32 $0xFFFFF000  }
0x19b: {  	s11 =	sor.u32 $0x10, s10;
	v0 =	vld [tilespmem:s5+$0x0]  }
0x19c: {  	s19 =	sor.u32 s11, s1;
	v2 =	vld [tilespmem:s5+$0x80]  }
0x19d: {  	v5 =	vld [tilespmem:s19+$0x0]  }
0x19e: {  	v3 =	vld [tilespmem:s5+$0x100]  }
0x19f: {  	s7 =	sor.u32 $0x20, s10;
	v7 =	vld [tilespmem:s19+$0x80]  }
0x1a0: {  	s29 =	sor.u32 s7, s1;
	v8 =	vld [tilespmem:s5+$0x180]  }
0x1a1: {  	v1 =	vld [tilespmem:s29+$0x0];
	v2 =	vadd.f32 v2, v0  }
0x1a2: {  	s31 =	sor.u32 s10, s1;
	v6 =	vld [tilespmem:s29+$0x80]  }
0x1a3: {  	v4 =	vld [tilespmem:s31+$0x80];
	v63 =	vadd.f32 v3, v2  }
0x1a4: {  	s25 =	sand.u32 $0x380, s3;
	v0 =	vld [tilespmem:s31+$0x0]  }
0x1a5: {  	s0 =	simm.s32 $0x0;
	s25 =	sadd.s32 $0x16500, s25;
	v3 =	vld [tilespmem:s19+$0x100];
	v2 =	vadd.f32 v7, v5;
	v7 =	vadd.f32 v8, v63  }
0x1a6: {  	s1 =	sor.u32 s11, s25;
	s23 =	sor.u32 s23, s25;
	s5 =	sor.u32 s7, s25;
	v5 =	vld [tilespmem:s29+$0x100]  }
.LBB2_14:
0x1a7: {  	s3 =	sadd.s32 $0x40, s3;
	v8 =	vld [tilespmem:s31+$0x100];
	v1 =	vadd.f32 v6, v1;
	[tilespmem:s23+$0x0] =	vst v7;
	s2 =	sadd.s32 $0x100, s2  }
0x1a8: {  	s6 =	sand.u32 $0x40, s3;
	s7 =	sand.u32 $0xE00, s2;
	s23 =	sshra.s32 s2, $0x2;
	v6 =	vld [tilespmem:s19+$0x180]  }
0x1a9: {  	s7 =	sadd.s32 $0x1A500, s7;
	s25 =	sor.u32 $0x10, s6;
	s8 =	sor.u32 $0x30, s6;
	v0 =	vadd.f32 v4, v0;
	v4 =	vld [tilespmem:s29+$0x180]  }
0x1aa: {  	s10 =	sor.u32 $0x20, s6;
	s19 =	sor.u32 s25, s7;
	s11 =	sor.u32 s8, s7;
	v7 =	vld [tilespmem:s31+$0x180];
	v2 =	vadd.f32 v3, v2  }
0x1ab: {  	p0 =	slt.u32 s3, $0x3C0;
	s31 =	sor.u32 s6, s7;
	s29 =	sor.u32 s10, s7;
	v3 =	vld [tilespmem:s11+$0x0];
	v1 =	vadd.f32 v5, v1  }
0x1ac: {  	v5 =	vld [tilespmem:s11+$0x80];
	v0 =	vadd.f32 v8, v0  }
0x1ad: {  	v8 =	vld [tilespmem:s19+$0x0];
	v2 =	vadd.f32 v6, v2  }
0x1ae: {  	v9 =	vld [tilespmem:s11+$0x100];
	v1 =	vadd.f32 v4, v1  }
0x1af: {  	v10 =	vld [tilespmem:s19+$0x80];
	v0 =	vadd.f32 v7, v0;
	[tilespmem:s1+$0x0] =	vst v2  }
0x1b0: {  	v7 =	vld [tilespmem:s11+$0x180];
	[tilespmem:s5+$0x0] =	vst v1  }
0x1b1: {  	v1 =	vld [tilespmem:s29+$0x0];
	v2 =	vadd.f32 v5, v3;
	[tilespmem:s0+$0x16500] =	vst v0;
	s0 =	smov.u32 s23  }
.Ltmp6:
0x1b2: {  	v6 =	vld [tilespmem:s29+$0x80];
	(pc) =	sbr.rel @p0 .LBB2_14-.Ltmp6, $4  }
0x1b3: {  	v0 =	vld [tilespmem:s31+$0x0];
	v5 =	vadd.f32 v9, v2  }
0x1b4: {  	s1 =	sand.u32 $0x380, s3;
	v4 =	vld [tilespmem:s31+$0x80];
	v2 =	vadd.f32 v10, v8  }
0x1b5: {  	s6 =	sadd.s32 $0x16500, s1;
	v3 =	vld [tilespmem:s19+$0x100];
	v7 =	vadd.f32 v7, v5  }
0x1b6: {  	s1 =	sor.u32 s25, s6;
	s5 =	sor.u32 s10, s6;
	s23 =	sor.u32 s8, s6;
	v5 =	vld [tilespmem:s29+$0x100]  }
0x1b7: {  	v8 =	vld [tilespmem:s31+$0x100]  }
0x1b8: {  	v9 =	vld [tilespmem:s19+$0x180]  }
0x1b9: {  	v10 =	vld [tilespmem:s29+$0x180]  }
0x1ba: {  	v1 =	vadd.f32 v6, v1;
	v6 =	vld [tilespmem:s31+$0x180]  }
0x1bb: {  	v0 =	vadd.f32 v4, v0;
	v2 =	vadd.f32 v3, v2  }
0x1bc: {  	v1 =	vadd.f32 v5, v1  }
0x1bd: {  	v0 =	vadd.f32 v8, v0;
	v2 =	vadd.f32 v9, v2  }
0x1be: {  	[tilespmem:s23+$0x0] =	vst v7;
	v1 =	vadd.f32 v10, v1  }
0x1bf: {  	v0 =	vadd.f32 v6, v0;
	[tilespmem:s1+$0x0] =	vst v2  }
0x1c0: {  	[tilespmem:s5+$0x0] =	vst v1  }
0x1c1: {  	s2 =	simm.s32 $0x0;
	[tilespmem:s0+$0x16500] =	vst v0  }
0x1c2: {  	[tilespmem:s28], [sflag:$0x1] =	stream.strided.gather [spmem:s14], $0x1000, s22, s26, $0x38;
	[tilespmem:$0x1F500] =	vst v63  }
0x1c3: {  	s3 =	simm.s32 $0x0;
	s31 =	simm.s32 $0x0;
	_ =	swait.ge [sflag:s20], $0x1000  }
0x1c4: {  	s19 =	sand.u32 $0xE00, s2;
	s0 =	sand.u32 $0x40, s3;
	[sflag:s20] =	ssyncset.done $0x0  }
0x1c5: {  	s1 =	sadd.s32 $0x1A500, s19;
	s23 =	sor.u32 $0x30, s0;
	[sflag:s20] =	ssyncadd.s32 $0xFFFFF000  }
0x1c6: {  	s6 =	sor.u32 s23, s1;
	v0 =	vld [tilespmem:s31+$0x16500]  }
0x1c7: {  	s7 =	sor.u32 $0x10, s0;
	v1 =	vld [tilespmem:s6+$0x0]  }
0x1c8: {  	s8 =	sor.u32 s7, s1;
	v2 =	vld [tilespmem:s6+$0x80]  }
0x1c9: {  	v3 =	vld [tilespmem:s8+$0x0]  }
0x1ca: {  	v4 =	vld [tilespmem:s6+$0x100]  }
0x1cb: {  	s10 =	sor.u32 $0x20, s0;
	v5 =	vld [tilespmem:s6+$0x180]  }
0x1cc: {  	s11 =	sand.u32 $0x380, s3;
	s25 =	sor.u32 s10, s1;
	v7 =	vld [tilespmem:s8+$0x80]  }
0x1cd: {  	s11 =	sadd.s32 $0x16500, s11;
	v8 =	vld [tilespmem:s25+$0x0]  }
0x1ce: {  	s5 =	sor.u32 s23, s11;
	v9 =	vld [tilespmem:s25+$0x80];
	v1 =	vadd.f32 v2, v1  }
0x1cf: {  	s29 =	sor.u32 s0, s1;
	v2 =	vld [tilespmem:s5+$0x0]  }
0x1d0: {  	v10 =	vld [tilespmem:s29+$0x0];
	v1 =	vadd.f32 v4, v1  }
0x1d1: {  	v11 =	vld [tilespmem:s29+$0x80]  }
0x1d2: {  	v6 =	vld [tilespmem:s8+$0x100];
	v1 =	vadd.f32 v5, v1  }
0x1d3: {  	v4 =	vld [tilespmem:s25+$0x100]  }
0x1d4: {  	v12 =	vadd.f32 v2, v1;
	v2 =	vld [tilespmem:s29+$0x100]  }
0x1d5: {  	v5 =	vadd.f32 v7, v3;
	v1 =	vld [tilespmem:s8+$0x180]  }
0x1d6: {  	s19 =	sor.u32 s7, s11;
	s0 =	sor.u32 s10, s11;
	v7 =	vadd.f32 v9, v8;
	v8 =	vadd.f32 v11, v10;
	v3 =	vld [tilespmem:s25+$0x180];
	[tilespmem:s5+$0x0] =	vst v12  }
.LBB2_16:
0x1d7: {  	s3 =	sadd.s32 $0x40, s3;
	v9 =	vld [tilespmem:s29+$0x180];
	v5 =	vadd.f32 v6, v5;
	s2 =	sadd.s32 $0x100, s2  }
0x1d8: {  	s1 =	sand.u32 $0x40, s3;
	s5 =	sand.u32 $0xE00, s2;
	s6 =	sshra.s32 s2, $0x2;
	v6 =	vld [tilespmem:s19+$0x0];
	v4 =	vadd.f32 v4, v7  }
0x1d9: {  	s5 =	sadd.s32 $0x1A500, s5;
	s7 =	sor.u32 $0x10, s1;
	s8 =	sor.u32 $0x30, s1;
	v2 =	vadd.f32 v2, v8;
	v7 =	vld [tilespmem:s0+$0x0]  }
0x1da: {  	s11 =	sor.u32 $0x20, s1;
	v8 =	vld [tilespmem:s6+$0x16500];
	s10 =	sor.u32 s7, s5;
	s23 =	sor.u32 s8, s5;
	v1 =	vadd.f32 v1, v5  }
0x1db: {  	p0 =	slt.u32 s3, $0x3C0;
	s29 =	sor.u32 s1, s5;
	s1 =	sor.u32 s11, s5;
	v5 =	vld [tilespmem:s23+$0x0];
	v3 =	vadd.f32 v3, v4  }
0x1dc: {  	v4 =	vld [tilespmem:s23+$0x80];
	v2 =	vadd.f32 v9, v2  }
0x1dd: {  	v9 =	vld [tilespmem:s10+$0x0];
	v1 =	vadd.f32 v6, v1  }
0x1de: {  	v6 =	vld [tilespmem:s23+$0x100];
	v2 =	vadd.f32 v0, v2;
	v3 =	vadd.f32 v7, v3  }
0x1df: {  	s5 =	sand.u32 $0x380, s3;
	v7 =	vld [tilespmem:s10+$0x80];
	[tilespmem:s19+$0x0] =	vst v1;
	v0 =	vmov v8  }
0x1e0: {  	s5 =	sadd.s32 $0x16500, s5;
	v1 =	vld [tilespmem:s23+$0x180];
	[tilespmem:s0+$0x0] =	vst v3  }
0x1e1: {  	s19 =	sor.u32 s7, s5;
	s0 =	sor.u32 s11, s5;
	s5 =	sor.u32 s8, s5;
	v3 =	vld [tilespmem:s1+$0x0];
	v4 =	vadd.f32 v4, v5;
	[tilespmem:s31+$0x16500] =	vst v2  }
0x1e2: {  	s31 =	smov.u32 s6;
	v2 =	vld [tilespmem:s5+$0x0]  }
0x1e3: {  	v8 =	vld [tilespmem:s1+$0x80];
	v4 =	vadd.f32 v6, v4  }
0x1e4: {  	v10 =	vld [tilespmem:s29+$0x0];
	v5 =	vadd.f32 v7, v9  }
0x1e5: {  	v9 =	vld [tilespmem:s29+$0x80];
	v1 =	vadd.f32 v1, v4  }
.Ltmp7:
0x1e6: {  	v6 =	vld [tilespmem:s10+$0x100];
	(pc) =	sbr.rel @p0 .LBB2_16-.Ltmp7, $4  }
0x1e7: {  	v4 =	vld [tilespmem:s1+$0x100];
	v11 =	vadd.f32 v2, v1  }
0x1e8: {  	v2 =	vld [tilespmem:s29+$0x100];
	v7 =	vadd.f32 v8, v3  }
0x1e9: {  	v1 =	vld [tilespmem:s10+$0x180];
	[tilespmem:s5+$0x0] =	vst v11  }
0x1ea: {  	v8 =	vadd.f32 v9, v10;
	v3 =	vld [tilespmem:s1+$0x180]  }
0x1eb: {  	v9 =	vld [tilespmem:s29+$0x180]  }
0x1ec: {  	v10 =	vld [tilespmem:s19+$0x0]  }
0x1ed: {  	v5 =	vadd.f32 v6, v5;
	v6 =	vld [tilespmem:s0+$0x0]  }
0x1ee: {  	v4 =	vadd.f32 v4, v7  }
0x1ef: {  	v2 =	vadd.f32 v2, v8;
	v1 =	vadd.f32 v1, v5  }
0x1f0: {  	v3 =	vadd.f32 v3, v4  }
0x1f1: {  	v2 =	vadd.f32 v9, v2;
	v1 =	vadd.f32 v10, v1  }
0x1f2: {  	v3 =	vadd.f32 v6, v3  }
0x1f3: {  	v0 =	vadd.f32 v0, v2;
	[tilespmem:s19+$0x0] =	vst v1  }
0x1f4: {  	[tilespmem:s0+$0x0] =	vst v3  }
0x1f5: {  	s2 =	simm.s32 $0x0;
	[tilespmem:s31+$0x16500] =	vst v0  }
0x1f6: {  	[tilespmem:s28], [sflag:$0x1] =	stream.strided.gather [spmem:s15], $0x1000, s22, s26, $0x38;
	[tilespmem:$0x1F500] =	vst v63  }
0x1f7: {  	s3 =	simm.s32 $0x0;
	s1 =	sand.u32 $0xE00, s2;
	_ =	swait.ge [sflag:s20], $0x1000  }
0x1f8: {  	s23 =	sand.u32 $0x40, s3;
	s1 =	sadd.s32 $0x1A500, s1;
	[sflag:s20] =	ssyncset.done $0x0  }
0x1f9: {  	s5 =	sor.u32 $0x30, s23;
	s31 =	simm.s32 $0x0;
	[sflag:s20] =	ssyncadd.s32 $0xFFFFF000  }
0x1fa: {  	s6 =	sor.u32 s5, s1;
	v0 =	vld [tilespmem:s31+$0x16500]  }
0x1fb: {  	s7 =	sor.u32 $0x10, s23;
	v1 =	vld [tilespmem:s6+$0x0]  }
0x1fc: {  	s8 =	sor.u32 s7, s1;
	v2 =	vld [tilespmem:s6+$0x80]  }
0x1fd: {  	v3 =	vld [tilespmem:s8+$0x0]  }
0x1fe: {  	v4 =	vld [tilespmem:s6+$0x100]  }
0x1ff: {  	s10 =	sor.u32 $0x20, s23;
	v5 =	vld [tilespmem:s6+$0x180]  }
0x200: {  	s11 =	sand.u32 $0x380, s3;
	s25 =	sor.u32 s10, s1;
	v7 =	vld [tilespmem:s8+$0x80]  }
0x201: {  	s11 =	sadd.s32 $0x16500, s11;
	v8 =	vld [tilespmem:s25+$0x0]  }
0x202: {  	s5 =	sor.u32 s5, s11;
	v9 =	vld [tilespmem:s25+$0x80];
	v1 =	vadd.f32 v2, v1  }
0x203: {  	s29 =	sor.u32 s23, s1;
	v2 =	vld [tilespmem:s5+$0x0]  }
0x204: {  	v10 =	vld [tilespmem:s29+$0x0];
	v1 =	vadd.f32 v4, v1  }
0x205: {  	v11 =	vld [tilespmem:s29+$0x80]  }
0x206: {  	v6 =	vld [tilespmem:s8+$0x100];
	v1 =	vadd.f32 v5, v1  }
0x207: {  	v4 =	vld [tilespmem:s25+$0x100]  }
0x208: {  	v12 =	vadd.f32 v2, v1;
	v2 =	vld [tilespmem:s29+$0x100]  }
0x209: {  	v5 =	vadd.f32 v7, v3;
	v1 =	vld [tilespmem:s8+$0x180]  }
0x20a: {  	s19 =	sor.u32 s7, s11;
	s0 =	sor.u32 s10, s11;
	v7 =	vadd.f32 v9, v8;
	v8 =	vadd.f32 v11, v10;
	v3 =	vld [tilespmem:s25+$0x180];
	[tilespmem:s5+$0x0] =	vst v12  }
.LBB2_18:
0x20b: {  	s3 =	sadd.s32 $0x40, s3;
	v9 =	vld [tilespmem:s29+$0x180];
	v5 =	vadd.f32 v6, v5;
	s2 =	sadd.s32 $0x100, s2  }
0x20c: {  	s1 =	sand.u32 $0x40, s3;
	s5 =	sand.u32 $0xE00, s2;
	s6 =	sshra.s32 s2, $0x2;
	v6 =	vld [tilespmem:s19+$0x0];
	v4 =	vadd.f32 v4, v7  }
0x20d: {  	s5 =	sadd.s32 $0x1A500, s5;
	s7 =	sor.u32 $0x10, s1;
	s8 =	sor.u32 $0x30, s1;
	v2 =	vadd.f32 v2, v8;
	v7 =	vld [tilespmem:s0+$0x0]  }
0x20e: {  	s11 =	sor.u32 $0x20, s1;
	v8 =	vld [tilespmem:s6+$0x16500];
	s10 =	sor.u32 s7, s5;
	s23 =	sor.u32 s8, s5;
	v1 =	vadd.f32 v1, v5  }
0x20f: {  	p0 =	slt.u32 s3, $0x3C0;
	s29 =	sor.u32 s1, s5;
	s1 =	sor.u32 s11, s5;
	v5 =	vld [tilespmem:s23+$0x0];
	v3 =	vadd.f32 v3, v4  }
0x210: {  	v4 =	vld [tilespmem:s23+$0x80];
	v2 =	vadd.f32 v9, v2  }
0x211: {  	v9 =	vld [tilespmem:s10+$0x0];
	v1 =	vadd.f32 v6, v1  }
0x212: {  	v6 =	vld [tilespmem:s23+$0x100];
	v2 =	vadd.f32 v0, v2;
	v3 =	vadd.f32 v7, v3  }
0x213: {  	s5 =	sand.u32 $0x380, s3;
	v7 =	vld [tilespmem:s10+$0x80];
	[tilespmem:s19+$0x0] =	vst v1;
	v0 =	vmov v8  }
0x214: {  	s5 =	sadd.s32 $0x16500, s5;
	v1 =	vld [tilespmem:s23+$0x180];
	[tilespmem:s0+$0x0] =	vst v3  }
0x215: {  	s19 =	sor.u32 s7, s5;
	s0 =	sor.u32 s11, s5;
	s5 =	sor.u32 s8, s5;
	v3 =	vld [tilespmem:s1+$0x0];
	v4 =	vadd.f32 v4, v5;
	[tilespmem:s31+$0x16500] =	vst v2  }
0x216: {  	s31 =	smov.u32 s6;
	v2 =	vld [tilespmem:s5+$0x0]  }
0x217: {  	v8 =	vld [tilespmem:s1+$0x80];
	v4 =	vadd.f32 v6, v4  }
0x218: {  	v10 =	vld [tilespmem:s29+$0x0];
	v5 =	vadd.f32 v7, v9  }
0x219: {  	v9 =	vld [tilespmem:s29+$0x80];
	v1 =	vadd.f32 v1, v4  }
.Ltmp8:
0x21a: {  	v6 =	vld [tilespmem:s10+$0x100];
	(pc) =	sbr.rel @p0 .LBB2_18-.Ltmp8, $4  }
0x21b: {  	v4 =	vld [tilespmem:s1+$0x100];
	v11 =	vadd.f32 v2, v1  }
0x21c: {  	v2 =	vld [tilespmem:s29+$0x100];
	v7 =	vadd.f32 v8, v3  }
0x21d: {  	v1 =	vld [tilespmem:s10+$0x180];
	[tilespmem:s5+$0x0] =	vst v11  }
0x21e: {  	v8 =	vadd.f32 v9, v10;
	v3 =	vld [tilespmem:s1+$0x180]  }
0x21f: {  	v9 =	vld [tilespmem:s29+$0x180]  }
0x220: {  	v10 =	vld [tilespmem:s19+$0x0]  }
0x221: {  	v5 =	vadd.f32 v6, v5;
	v6 =	vld [tilespmem:s0+$0x0]  }
0x222: {  	v4 =	vadd.f32 v4, v7  }
0x223: {  	v2 =	vadd.f32 v2, v8;
	v1 =	vadd.f32 v1, v5  }
0x224: {  	v3 =	vadd.f32 v3, v4  }
0x225: {  	v2 =	vadd.f32 v9, v2;
	v1 =	vadd.f32 v10, v1  }
0x226: {  	v3 =	vadd.f32 v6, v3  }
0x227: {  	v0 =	vadd.f32 v0, v2;
	[tilespmem:s19+$0x0] =	vst v1  }
0x228: {  	[tilespmem:s0+$0x0] =	vst v3  }
0x229: {  	s2 =	simm.s32 $0x0;
	[tilespmem:s31+$0x16500] =	vst v0  }
0x22a: {  	[tilespmem:s28], [sflag:$0x1] =	stream.strided.gather [spmem:s16], $0x1000, s22, s26, $0x38;
	[tilespmem:$0x1F500] =	vst v63  }
0x22b: {  	s3 =	simm.s32 $0x0;
	s1 =	sand.u32 $0xE00, s2;
	_ =	swait.ge [sflag:s20], $0x1000  }
0x22c: {  	s23 =	sand.u32 $0x40, s3;
	s1 =	sadd.s32 $0x1A500, s1;
	[sflag:s20] =	ssyncset.done $0x0  }
0x22d: {  	s5 =	sor.u32 $0x30, s23;
	s31 =	simm.s32 $0x0;
	[sflag:s20] =	ssyncadd.s32 $0xFFFFF000  }
0x22e: {  	s6 =	sor.u32 s5, s1;
	v0 =	vld [tilespmem:s31+$0x16500]  }
0x22f: {  	s7 =	sor.u32 $0x10, s23;
	v1 =	vld [tilespmem:s6+$0x0]  }
0x230: {  	s8 =	sor.u32 s7, s1;
	v2 =	vld [tilespmem:s6+$0x80]  }
0x231: {  	v3 =	vld [tilespmem:s8+$0x0]  }
0x232: {  	v4 =	vld [tilespmem:s6+$0x100]  }
0x233: {  	s10 =	sor.u32 $0x20, s23;
	v5 =	vld [tilespmem:s6+$0x180]  }
0x234: {  	s11 =	sand.u32 $0x380, s3;
	s25 =	sor.u32 s10, s1;
	v7 =	vld [tilespmem:s8+$0x80]  }
0x235: {  	s11 =	sadd.s32 $0x16500, s11;
	v8 =	vld [tilespmem:s25+$0x0]  }
0x236: {  	s5 =	sor.u32 s5, s11;
	v9 =	vld [tilespmem:s25+$0x80];
	v1 =	vadd.f32 v2, v1  }
0x237: {  	s29 =	sor.u32 s23, s1;
	v2 =	vld [tilespmem:s5+$0x0]  }
0x238: {  	v10 =	vld [tilespmem:s29+$0x0];
	v1 =	vadd.f32 v4, v1  }
0x239: {  	v11 =	vld [tilespmem:s29+$0x80]  }
0x23a: {  	v6 =	vld [tilespmem:s8+$0x100];
	v1 =	vadd.f32 v5, v1  }
0x23b: {  	v4 =	vld [tilespmem:s25+$0x100]  }
0x23c: {  	v12 =	vadd.f32 v2, v1;
	v2 =	vld [tilespmem:s29+$0x100]  }
0x23d: {  	v5 =	vadd.f32 v7, v3;
	v1 =	vld [tilespmem:s8+$0x180]  }
0x23e: {  	s19 =	sor.u32 s7, s11;
	s0 =	sor.u32 s10, s11;
	v7 =	vadd.f32 v9, v8;
	v8 =	vadd.f32 v11, v10;
	v3 =	vld [tilespmem:s25+$0x180];
	[tilespmem:s5+$0x0] =	vst v12  }
.LBB2_20:
0x23f: {  	s3 =	sadd.s32 $0x40, s3;
	v9 =	vld [tilespmem:s29+$0x180];
	v5 =	vadd.f32 v6, v5;
	s2 =	sadd.s32 $0x100, s2  }
0x240: {  	s1 =	sand.u32 $0x40, s3;
	s5 =	sand.u32 $0xE00, s2;
	s6 =	sshra.s32 s2, $0x2;
	v6 =	vld [tilespmem:s19+$0x0];
	v4 =	vadd.f32 v4, v7  }
0x241: {  	s5 =	sadd.s32 $0x1A500, s5;
	s7 =	sor.u32 $0x10, s1;
	s8 =	sor.u32 $0x30, s1;
	v2 =	vadd.f32 v2, v8;
	v7 =	vld [tilespmem:s0+$0x0]  }
0x242: {  	s11 =	sor.u32 $0x20, s1;
	v8 =	vld [tilespmem:s6+$0x16500];
	s10 =	sor.u32 s7, s5;
	s23 =	sor.u32 s8, s5;
	v1 =	vadd.f32 v1, v5  }
0x243: {  	p0 =	slt.u32 s3, $0x3C0;
	s29 =	sor.u32 s1, s5;
	s1 =	sor.u32 s11, s5;
	v5 =	vld [tilespmem:s23+$0x0];
	v3 =	vadd.f32 v3, v4  }
0x244: {  	v4 =	vld [tilespmem:s23+$0x80];
	v2 =	vadd.f32 v9, v2  }
0x245: {  	v9 =	vld [tilespmem:s10+$0x0];
	v1 =	vadd.f32 v6, v1  }
0x246: {  	v6 =	vld [tilespmem:s23+$0x100];
	v2 =	vadd.f32 v0, v2;
	v3 =	vadd.f32 v7, v3  }
0x247: {  	s5 =	sand.u32 $0x380, s3;
	v7 =	vld [tilespmem:s10+$0x80];
	[tilespmem:s19+$0x0] =	vst v1;
	v0 =	vmov v8  }
0x248: {  	s5 =	sadd.s32 $0x16500, s5;
	v1 =	vld [tilespmem:s23+$0x180];
	[tilespmem:s0+$0x0] =	vst v3  }
0x249: {  	s19 =	sor.u32 s7, s5;
	s0 =	sor.u32 s11, s5;
	s5 =	sor.u32 s8, s5;
	v3 =	vld [tilespmem:s1+$0x0];
	v4 =	vadd.f32 v4, v5;
	[tilespmem:s31+$0x16500] =	vst v2  }
0x24a: {  	s31 =	smov.u32 s6;
	v2 =	vld [tilespmem:s5+$0x0]  }
0x24b: {  	v8 =	vld [tilespmem:s1+$0x80];
	v4 =	vadd.f32 v6, v4  }
0x24c: {  	v10 =	vld [tilespmem:s29+$0x0];
	v5 =	vadd.f32 v7, v9  }
0x24d: {  	v9 =	vld [tilespmem:s29+$0x80];
	v1 =	vadd.f32 v1, v4  }
.Ltmp9:
0x24e: {  	v6 =	vld [tilespmem:s10+$0x100];
	(pc) =	sbr.rel @p0 .LBB2_20-.Ltmp9, $4  }
0x24f: {  	v4 =	vld [tilespmem:s1+$0x100];
	v11 =	vadd.f32 v2, v1  }
0x250: {  	v2 =	vld [tilespmem:s29+$0x100];
	v7 =	vadd.f32 v8, v3  }
0x251: {  	v1 =	vld [tilespmem:s10+$0x180];
	[tilespmem:s5+$0x0] =	vst v11  }
0x252: {  	v8 =	vadd.f32 v9, v10;
	v3 =	vld [tilespmem:s1+$0x180]  }
0x253: {  	v9 =	vld [tilespmem:s29+$0x180]  }
0x254: {  	v10 =	vld [tilespmem:s19+$0x0]  }
0x255: {  	v5 =	vadd.f32 v6, v5;
	v63 =	vld [tilespmem:s0+$0x0]  }
0x256: {  	v4 =	vadd.f32 v4, v7  }
0x257: {  	v2 =	vadd.f32 v2, v8;
	v1 =	vadd.f32 v1, v5  }
0x258: {  	v3 =	vadd.f32 v3, v4  }
0x259: {  	v2 =	vadd.f32 v9, v2;
	v1 =	vadd.f32 v10, v1  }
0x25a: {  	v3 =	vadd.f32 v63, v3  }
0x25b: {  	s30 =	sadd.s32 $0x1, s30;
	v0 =	vadd.f32 v0, v2;
	[tilespmem:s19+$0x0] =	vst v1  }
0x25c: {  	p0 =	sne.s32 s30, s18;
	[tilespmem:s0+$0x0] =	vst v3  }
.Ltmp10:
0x25d: {  	s6 =	simm.s32 $0x16500;
	[tilespmem:s31+$0x16500] =	vst v0;
	s31 =	simm.s32 $0x100;
	(pc) =	sbr.rel @p0 .LBB2_1-.Ltmp10, $4  }
0x25e: {  	[hbm4b:s17+s21] =	stream.strided.scatter [tilespmem:s6], [sflag:$0x1], $0x400, s31, s21, $0x38;
	[tilespmem:$0x1F500] =	vst v63  }
0x25f: {  	_ =	swait.ge [sflag:s20], $0x400  }
0x260: {  	[sflag:s20] =	ssyncset.done $0x0  }
0x261: {  	s5 =	simm.s32 $0xC400;
	s19 =	smov.u32 s13;
	[sflag:s20] =	ssyncadd.s32 $0xFFFFFC00  }
0x262: {  	_ =	sfence.sel $0x180000  }
0x263: {  	[bflag:$0x0] =	sbarrier.arrive $0xFFFF  }
0x264: {  	_ =	strace $0x90000047  }
0x265: {  	s0 =	stileid.u32;
	[bflag:$0x2] =	sbarrier.arrive $0xFFFF  }
0x266: {  	p0 =	sne.s32 s0, $0x0;
	s0 =	rddreg [dreg:$0x6]  }
0x267: {  	s0 =	sadd.s32 @!p0 $0x100000, s0  }
0x268: {  	[sflag:s0] =	ssyncadd.tile.s32 @!p0 $0x1;
	_ =	shalt  }
.Lfunc_end2:
_tile_overlayer_lowered:
.L_overlay_start_2:
0x269: {  	(tag) =	ssettag $0x2  }
0x26a: {  	s0 =	rddreg [dreg:$0x0];
	s2 =	stileid.u32  }
0x26b: {  	s1 =	rddreg [dreg:$0x1];
	p0 =	sne.s32 s2, $0x0  }
0x26c: {  	s3 =	rddreg [dreg:$0x2];
	[bflag:$0x3] =	sbarrier.arrive $0xFFFF;
	s2 =	simm.s32 @!p0 $0x1C01  }
0x26d: {  	[timem:s3], [sflag:s2] =	dma.local @!p0 [hbm:s0], s1  }
0x26e: {  	s0 =	simm.s32 @!p0 $0x1  }
0x26f: {  	_ =	swait.ge @!p0 [sflag:s0], s1  }
0x270: {  	s1 =	ssub.s32 @!p0 $0x0, s1;
	[sflag:s0] =	ssyncset.done @!p0 $0x0  }
0x271: {  	[sflag:s0] =	ssyncadd.s32 @!p0 s1  }
0x272: {  	[bflag:$0x3] =	sbarrier.arrive $0xFFFF  }
0x273: {  	_ =	shalt  }

</sc_bundles>
